<compile_context>
chip_gen: v7x
topology: tpu7x:2x2x1
jax: 0.10.2.dev20260603
libtpu: 0.0.44.dev20260713+nightly
codegen_flags: <defaults>
</compile_context>

<pallas_src>
import jax
import jax.numpy as jnp
from jax import lax
from jax.experimental import pallas as pl
from jax.experimental.pallas import tpu as pltpu
from jax.experimental.pallas import tpu_sc as plsc

N = 320000
D = 128
S = 1024
BLOCK = 4096
N_PAD = 323584
NB = N_PAD // BLOCK
C = 256
CW = 192
NUM_CORES = 2
NUM_SUBCORES = 16
NW = NUM_CORES * NUM_SUBCORES
SEG_PER_W = S // NW
OFF_PAD = 1040


def _mlp_body(x_ref, ids_ref, w1_ref, b1_ref, w2_ref, b2_ref, h_ref, off_ref, prev_hi):
    i = pl.program_id(0)

    x = x_ref[...].astype(jnp.bfloat16)
    w1 = w1_ref[...].astype(jnp.bfloat16)
    w2 = w2_ref[...].astype(jnp.bfloat16)
    h = jnp.maximum(jnp.dot(x, w1, preferred_element_type=jnp.float32) + b1_ref[...], 0.0)
    h = h.astype(jnp.bfloat16)
    h = jnp.maximum(jnp.dot(h, w2, preferred_element_type=jnp.float32) + b2_ref[...], 0.0)
    h_ref[...] = h.astype(jnp.bfloat16)

    @pl.when(i == 0)
    def _init():
        prev_hi[0] = -1

    ids = ids_ref[...]
    lo = prev_hi[0] + 1
    hi = ids_ref[0, 31, 127]
    base = i * BLOCK

    def body(s, c):
        cnt = jnp.sum((ids < s).astype(jnp.int32))
        off_ref[pl.ds(s, 1), :] = jnp.full((1, 1), base + cnt, jnp.int32)
        return c

    lax.fori_loop(lo, hi + 1, body, 0)
    prev_hi[0] = hi

    @pl.when(i == NB - 1)
    def _tail():
        def body2(s, c):
            off_ref[pl.ds(s, 1), :] = jnp.full((1, 1), N, jnp.int32)
            return c

        lax.fori_loop(hi + 1, S + 1, body2, 0)


def _mlp_and_offsets(feature, ids3, W1, b1, W2, b2):
    d = D
    return pl.pallas_call(
        _mlp_body,
        grid=(NB,),
        in_specs=[
            pl.BlockSpec((BLOCK, d), lambda i: (i, 0)),
            pl.BlockSpec((1, 32, 128), lambda i: (i, 0, 0)),
            pl.BlockSpec((d, d), lambda i: (0, 0)),
            pl.BlockSpec((1, d), lambda i: (0, 0)),
            pl.BlockSpec((d, d), lambda i: (0, 0)),
            pl.BlockSpec((1, d), lambda i: (0, 0)),
        ],
        out_specs=[
            pl.BlockSpec((BLOCK, d), lambda i: (i, 0)),
            pl.BlockSpec((OFF_PAD, 1), lambda i: (0, 0)),
        ],
        out_shape=[
            jax.ShapeDtypeStruct((N_PAD, d), jnp.bfloat16),
            jax.ShapeDtypeStruct((OFF_PAD, 1), jnp.int32),
        ],
        scratch_shapes=[pltpu.SMEM((1,), jnp.int32)],
    )(feature, ids3, W1, b1.reshape(1, d), W2, b2.reshape(1, d))


def _seg_max_body(h_hbm, off_hbm, out_hbm, off_v, buf_v, loc_v):
    cid = lax.axis_index("c")
    sid = lax.axis_index("s")
    wid = sid * NUM_CORES + cid
    base_seg = wid * SEG_PER_W

    h32 = h_hbm.bitcast(jnp.int32)
    pltpu.sync_copy(off_hbm, off_v)

    def seg_body(j, _):
        seg = base_seg + j
        offs = off_v[pl.ds(seg, 16)]
        start = offs[0]
        end = offs[1]
        pf_lo = (start + 1) >> 1
        pf_hi = end >> 1
        pe1 = start >> 1
        pe2 = end >> 1
        start_odd = lax.rem(start, 2) == 1
        end_odd = lax.rem(end, 2) == 1

        wstart0 = pe1 - lax.rem(pe1, 8)
        nchunks = lax.div(pe2 + 1 - wstart0 + (CW - 1), CW)

        def chunk_body(k, accs):
            astart = pl.multiple_of(wstart0 + k * CW, 8)
            pltpu.sync_copy(h32.at[pl.ds(astart, CW)], buf_v)
            lo_p = jnp.maximum(pf_lo - astart, 0)
            hi_p = jnp.minimum(CW, pf_hi - astart)

            def row_body(r, a):
                ah, al = list(a[0]), list(a[1])
                for g in range(8):
                    v = buf_v[r, pl.ds(g * 16, 16)]
                    ah[g] = jnp.maximum(ah[g], v)
                    al[g] = jnp.maximum(al[g], v & 0xFFFF)
                return (tuple(ah), tuple(al))

            accs = lax.fori_loop(lo_p, hi_p, row_body, accs)

            ah, al = list(accs[0]), list(accs[1])
            r1 = jnp.clip(pe1 - astart, 0, CW - 1)
            use1 = jnp.logical_and(start_odd, jnp.logical_and(pe1 >= astart, pe1 < astart + CW))
            r2 = jnp.clip(pe2 - astart, 0, CW - 1)
            use2 = jnp.logical_and(end_odd, jnp.logical_and(pe2 >= astart, pe2 < astart + CW))
            zero = jnp.zeros((16,), jnp.int32)
            for g in range(8):
                v1 = buf_v[r1, pl.ds(g * 16, 16)]
                ah[g] = jnp.maximum(ah[g], jnp.where(use1, v1 & ~0xFFFF, zero))
                v2 = buf_v[r2, pl.ds(g * 16, 16)]
                al[g] = jnp.maximum(al[g], jnp.where(use2, v2 & 0xFFFF, zero))
            return (tuple(ah), tuple(al))

        z16 = jnp.zeros((16,), jnp.int32)
        accs0 = (tuple(z16 for _ in range(8)), tuple(z16 for _ in range(8)))
        ah, al = lax.fori_loop(0, nchunks, chunk_body, accs0)
        for g in range(8):
            loc_v[j, pl.ds(g * 16, 16)] = jnp.maximum(ah[g] >> 16, al[g])
        return 0

    lax.fori_loop(0, SEG_PER_W, seg_body, 0)
    pltpu.sync_copy(loc_v, out_hbm.at[pl.ds(base_seg, SEG_PER_W)])


def _seg_max(h_pad, offsets):
    mesh = plsc.VectorSubcoreMesh(core_axis_name="c", subcore_axis_name="s")
    f = pl.kernel(
        _seg_max_body,
        out_type=jax.ShapeDtypeStruct((S, D), jnp.int32),
        mesh=mesh,
        scratch_types=[
            pltpu.VMEM((OFF_PAD,), jnp.int32),
            pltpu.VMEM((CW, D), jnp.int32),
            pltpu.VMEM((SEG_PER_W, D), jnp.int32),
        ],
    )
    return f(h_pad, offsets)


def kernel(feature, segment_ids, W1, b1, W2, b2):
    ids_pad = jnp.concatenate(
        [segment_ids, jnp.full((N_PAD - N,), S - 1, jnp.int32)]
    )
    ids3 = ids_pad.reshape(NB, 32, 128)
    h_pad, off = _mlp_and_offsets(feature, ids3, W1, b1, W2, b2)
    patt = _seg_max(h_pad, off.reshape(-1))
    pooled = lax.bitcast_convert_type(patt.astype(jnp.uint16), jnp.bfloat16)
    return pooled.astype(jnp.float32)

# --- scband reference (transcript-rebuilt; emitter-appended) ---
"""Pipeline reference for scband-plane-refine-block-2-41927470743687 (READ-ONLY COPY).

The authoritative reference and input builder live on the scoring server;
editing this copy changes nothing except your own understanding.
"""

import jax, jax.numpy as jnp
import numpy as np

N = 320000
D = 128
NUM_SEGMENTS = 1024


def setup_inputs(seed: int = 0) -> dict:
    key = jax.random.key(seed)
    k1, k2, k3, k4, k5, k6 = jax.random.split(key, 6)
    feature = jax.random.normal(k1, (N, D), dtype=jnp.float32)
    segment_ids = jnp.sort(jax.random.randint(k2, (N,), 0, NUM_SEGMENTS)).astype(jnp.int32)
    W1 = jax.random.normal(k3, (D, D), dtype=jnp.float32) * (1.0 / np.sqrt(D))
    b1 = jax.random.normal(k4, (D,), dtype=jnp.float32) * 0.01
    W2 = jax.random.normal(k5, (D, D), dtype=jnp.float32) * (1.0 / np.sqrt(D))
    b2 = jax.random.normal(k6, (D,), dtype=jnp.float32) * 0.01
    return {"feature": feature, "segment_ids": segment_ids, "W1": W1, "b1": b1, "W2": W2, "b2": b2}


def reference(feature, segment_ids, W1, b1, W2, b2):
    # fc1/fc2: 1x1 conv + (folded) BN + ReLU, pointwise over all points.
    # Applying pointwise MLP to all points then segment-reducing is equivalent
    # to the original per-plane masked gather -> fc -> max_pool2d over points.
    h = jnp.maximum(jnp.dot(feature, W1) + b1, 0.0)
    h = jnp.maximum(jnp.dot(h, W2) + b2, 0.0)
    # per-plane max pooling over member points == segment max reduce
    pooled = jax.ops.segment_max(h, segment_ids, num_segments=NUM_SEGMENTS)
    # empty segments produce -inf identity; replace with 0 (planes with <2 points are skipped in original)
    pooled = jnp.where(jnp.isfinite(pooled), pooled, 0.0)
    return pooled

if __name__ == "__main__":
    import jax
    _d = setup_inputs()
    print(jax.jit(kernel)(*tuple(_d.values())))

</pallas_src>

<mosaic_0001>
#map = affine_map<(d0, d1) -> (0, 0)>
#map1 = affine_map<(d0, d1) -> (0)>
module attributes {stable_mosaic.version = 14 : i64} {
  func.func @_seg_max_body(%arg0: i32, %arg1: i32, %arg2: memref<323584x128xbf16, #tpu.memory_space<hbm>>, %arg3: memref<1040xi32, #tpu.memory_space<hbm>>, %arg4: memref<1024x128xi32, #tpu.memory_space<hbm>>, %arg5: memref<1040xi32, #tpu.memory_space<vmem>>, %arg6: memref<192x128xi32, #tpu.memory_space<vmem>>, %arg7: memref<32x128xi32, #tpu.memory_space<vmem>>) attributes {dimension_semantics = [#tpu.dimension_semantics<core_parallel>, #tpu.dimension_semantics<subcore_parallel>], iteration_bounds = array<i64: 2, 16>, scalar_prefetch = 0 : i64, scratch_operands = 3 : i64, tpu.core_type = #tpu.core_type<sc_vector_subcore>, window_params = [{transform_indices = #map}, {transform_indices = #map1}, {transform_indices = #map}]} {
    %mul3A = arith.constant 2 : i32
    %mul3A_0 = arith.muli %arg1, %mul3A : i32
    %add3A = arith.addi %mul3A_0, %arg0 : i32
    %mul3A_1 = arith.constant 32 : i32
    %mul3A_2 = arith.muli %add3A, %mul3A_1 : i32
    "tpu.region"() ({
      %run_scoped3A = tpu.sem_alloc : memref<!tpu.dma_semaphore, #tpu.memory_space<semaphore_mem>>
      tpu.enqueue_dma source(%arg3 : memref<1040xi32, #tpu.memory_space<hbm>>) target(%arg5 : memref<1040xi32, #tpu.memory_space<vmem>>) target_semaphore(%run_scoped3A : memref<!tpu.dma_semaphore, #tpu.memory_space<semaphore_mem>>)
      tpu.wait_dma2 semaphore(%run_scoped3A : memref<!tpu.dma_semaphore, #tpu.memory_space<semaphore_mem>>) src(%arg3 : memref<1040xi32, #tpu.memory_space<hbm>>) dst(%arg5 : memref<1040xi32, #tpu.memory_space<vmem>>)
      tpu.yield
    }) : () -> ()
    %scan3A = arith.constant 0 : i32
    %scan3A_3 = arith.constant 0 : i32
    %scan3A_4 = arith.constant 32 : i32
    %scan3A_5 = arith.addi %scan3A_3, %scan3A_4 : i32
    %scan3A_6 = arith.constant 1 : i32
    %scan3A_7 = scf.for %scan3A_9 = %scan3A_3 to %scan3A_5 step %scan3A_6 iter_args(%scan3A_10 = %scan3A) -> (i32)  : i32 {
      %add3A_11 = arith.addi %mul3A_2, %scan3A_9 : i32
      %get3A = arith.index_cast %add3A_11 : i32 to index
      %get3A_12 = tpu.vector_load %arg5[%get3A] {strides = array<i32>} : memref<1040xi32, #tpu.memory_space<vmem>>, vector<16xi32>,
      %get3A_13 = vector.shape_cast %get3A_12 : vector<16xi32> to vector<16xi32>
      %slice3A = vector.extract_strided_slice %get3A_13 {offsets = [0], sizes = [1], strides = [1]} : vector<16xi32> to vector<1xi32>
      %squeeze3A = vector.extract %slice3A[0] : i32 from vector<1xi32>
      %slice3A_14 = vector.extract_strided_slice %get3A_13 {offsets = [1], sizes = [1], strides = [1]} : vector<16xi32> to vector<1xi32>
      %squeeze3A_15 = vector.extract %slice3A_14[0] : i32 from vector<1xi32>
      %add3A_16 = arith.constant 1 : i32
      %add3A_17 = arith.addi %squeeze3A, %add3A_16 : i32
      %shift_right_arithmetic3A = arith.constant 1 : i32
      %shift_right_arithmetic3A_18 = arith.shrsi %add3A_17, %shift_right_arithmetic3A : i32
      %shift_right_arithmetic3A_19 = arith.constant 1 : i32
      %shift_right_arithmetic3A_20 = arith.shrsi %squeeze3A_15, %shift_right_arithmetic3A_19 : i32
      %shift_right_arithmetic3A_21 = arith.constant 1 : i32
      %shift_right_arithmetic3A_22 = arith.shrsi %squeeze3A, %shift_right_arithmetic3A_21 : i32
      %shift_right_arithmetic3A_23 = arith.constant 1 : i32
      %shift_right_arithmetic3A_24 = arith.shrsi %squeeze3A_15, %shift_right_arithmetic3A_23 : i32
      %rem3A = arith.constant 2 : i32
      %rem3A_25 = arith.remsi %squeeze3A, %rem3A : i32
      %eq3A = arith.constant 1 : i32
      %eq3A_26 = arith.cmpi eq, %rem3A_25, %eq3A : i32
      %rem3A_27 = arith.constant 2 : i32
      %rem3A_28 = arith.remsi %squeeze3A_15, %rem3A_27 : i32
      %eq3A_29 = arith.constant 1 : i32
      %eq3A_30 = arith.cmpi eq, %rem3A_28, %eq3A_29 : i32
      %rem3A_31 = arith.constant 8 : i32
      %rem3A_32 = arith.remsi %shift_right_arithmetic3A_22, %rem3A_31 : i32
      %sub3A = arith.subi %shift_right_arithmetic3A_22, %rem3A_32 : i32
      %add3A_33 = arith.constant 1 : i32
      %add3A_34 = arith.addi %shift_right_arithmetic3A_24, %add3A_33 : i32
      %sub3A_35 = arith.subi %add3A_34, %sub3A : i32
      %add3A_36 = arith.constant 191 : i32
      %add3A_37 = arith.addi %sub3A_35, %add3A_36 : i32
      %div3A = arith.constant 192 : i32
      %div3A_38 = arith.divsi %add3A_37, %div3A : i32
      %broadcast_in_dim3A = arith.constant 0 : i32
      %broadcast_in_dim3A_39 = vector.broadcast %broadcast_in_dim3A : i32 to vector<16xi32>
      %while3A = arith.constant 0 : i32
      %while3A_40 = arith.subi %div3A_38, %while3A : i32
      %while3A_41 = arith.addi %while3A, %while3A_40 : i32
      %while3A_42 = arith.constant 1 : i32
      %while3A_43 = arith.divsi %while3A_40, %while3A_42 : i32
      %while3A_44 = arith.muli %while3A_43, %while3A_42 : i32
      %while3A_45 = arith.addi %while3A, %while3A_44 : i32
      %while3A_46 = arith.constant 1 : i32
      %while3A_47:16 = scf.for %while3A_121 = %while3A to %while3A_45 step %while3A_46 iter_args(%while3A_122 = %broadcast_in_dim3A_39, %while3A_123 = %broadcast_in_dim3A_39, %while3A_124 = %broadcast_in_dim3A_39, %while3A_125 = %broadcast_in_dim3A_39, %while3A_126 = %broadcast_in_dim3A_39, %while3A_127 = %broadcast_in_dim3A_39, %while3A_128 = %broadcast_in_dim3A_39, %while3A_129 = %broadcast_in_dim3A_39, %while3A_130 = %broadcast_in_dim3A_39, %while3A_131 = %broadcast_in_dim3A_39, %while3A_132 = %broadcast_in_dim3A_39, %while3A_133 = %broadcast_in_dim3A_39, %while3A_134 = %broadcast_in_dim3A_39, %while3A_135 = %broadcast_in_dim3A_39, %while3A_136 = %broadcast_in_dim3A_39, %while3A_137 = %broadcast_in_dim3A_39) -> (vector<16xi32>, vector<16xi32>, vector<16xi32>, vector<16xi32>, vector<16xi32>, vector<16xi32>, vector<16xi32>, vector<16xi32>, vector<16xi32>, vector<16xi32>, vector<16xi32>, vector<16xi32>, vector<16xi32>, vector<16xi32>, vector<16xi32>, vector<16xi32>)  : i32 {
        %mul3A_138 = arith.constant 192 : i32
        %mul3A_139 = arith.muli %while3A_121, %mul3A_138 : i32
        %add3A_140 = arith.addi %sub3A, %mul3A_139 : i32
        %multiple_of3A = tpu.assume_multiple %add3A_140, 8 : i32
        "tpu.region"() ({
          %run_scoped3A = tpu.sem_alloc : memref<!tpu.dma_semaphore, #tpu.memory_space<semaphore_mem>>
          %dma_start3A = tpu.memref_bitcast %arg2 : memref<323584x128xbf16, #tpu.memory_space<hbm>> -> memref<161792x128xi32, #tpu.memory_space<hbm>>
          %dma_start3A_319 = arith.constant 0 : i32
          %dma_start3A_320 = tpu.memref_slice %dma_start3A[%multiple_of3A, %dma_start3A_319] : memref<161792x128xi32, #tpu.memory_space<hbm>> -> memref<192x128xi32, #tpu.memory_space<hbm>>
          %dma_start3A_321 = tpu.memref_bitcast %arg2 : memref<323584x128xbf16, #tpu.memory_space<hbm>> -> memref<161792x128xi32, #tpu.memory_space<hbm>>
          %dma_start3A_322 = arith.constant 0 : i32
          %dma_start3A_323 = tpu.memref_slice %dma_start3A_321[%multiple_of3A, %dma_start3A_322] : memref<161792x128xi32, #tpu.memory_space<hbm>> -> memref<192x128xi32, #tpu.memory_space<hbm>>
          tpu.enqueue_dma source(%dma_start3A_323 : memref<192x128xi32, #tpu.memory_space<hbm>>) target(%arg6 : memref<192x128xi32, #tpu.memory_space<vmem>>) target_semaphore(%run_scoped3A : memref<!tpu.dma_semaphore, #tpu.memory_space<semaphore_mem>>)
          %dma_wait3A = tpu.memref_bitcast %arg2 : memref<323584x128xbf16, #tpu.memory_space<hbm>> -> memref<161792x128xi32, #tpu.memory_space<hbm>>
          %dma_wait3A_324 = arith.constant 0 : i32
          %dma_wait3A_325 = tpu.memref_slice %dma_wait3A[%multiple_of3A, %dma_wait3A_324] : memref<161792x128xi32, #tpu.memory_space<hbm>> -> memref<192x128xi32, #tpu.memory_space<hbm>>
          %dma_wait3A_326 = tpu.memref_bitcast %arg2 : memref<323584x128xbf16, #tpu.memory_space<hbm>> -> memref<161792x128xi32, #tpu.memory_space<hbm>>
          %dma_wait3A_327 = arith.constant 0 : i32
          %dma_wait3A_328 = tpu.memref_slice %dma_wait3A_326[%multiple_of3A, %dma_wait3A_327] : memref<161792x128xi32, #tpu.memory_space<hbm>> -> memref<192x128xi32, #tpu.memory_space<hbm>>
          tpu.wait_dma2 semaphore(%run_scoped3A : memref<!tpu.dma_semaphore, #tpu.memory_space<semaphore_mem>>) src(%dma_wait3A_328 : memref<192x128xi32, #tpu.memory_space<hbm>>) dst(%arg6 : memref<192x128xi32, #tpu.memory_space<vmem>>)
          tpu.yield
        }) : () -> ()
        %sub3A_141 = arith.subi %shift_right_arithmetic3A_18, %multiple_of3A : i32
        %max3A_142 = arith.constant 0 : i32
        %max3A_143 = arith.maxsi %sub3A_141, %max3A_142 : i32
        %sub3A_144 = arith.subi %shift_right_arithmetic3A_20, %multiple_of3A : i32
        %min3A = arith.constant 192 : i32
        %min3A_145 = arith.minsi %min3A, %sub3A_144 : i32
        %while3A_146 = arith.subi %min3A_145, %max3A_143 : i32
        %while3A_147 = arith.addi %max3A_143, %while3A_146 : i32
        %while3A_148 = arith.constant 1 : i32
        %while3A_149 = arith.divsi %while3A_146, %while3A_148 : i32
        %while3A_150 = arith.muli %while3A_149, %while3A_148 : i32
        %while3A_151 = arith.addi %max3A_143, %while3A_150 : i32
        %while3A_152 = arith.constant 1 : i32
        %while3A_153:16 = scf.for %while3A_319 = %max3A_143 to %while3A_151 step %while3A_152 iter_args(%while3A_320 = %while3A_122, %while3A_321 = %while3A_123, %while3A_322 = %while3A_124, %while3A_323 = %while3A_125, %while3A_324 = %while3A_126, %while3A_325 = %while3A_127, %while3A_326 = %while3A_128, %while3A_327 = %while3A_129, %while3A_328 = %while3A_130, %while3A_329 = %while3A_131, %while3A_330 = %while3A_132, %while3A_331 = %while3A_133, %while3A_332 = %while3A_134, %while3A_333 = %while3A_135, %while3A_334 = %while3A_136, %while3A_335 = %while3A_137) -> (vector<16xi32>, vector<16xi32>, vector<16xi32>, vector<16xi32>, vector<16xi32>, vector<16xi32>, vector<16xi32>, vector<16xi32>, vector<16xi32>, vector<16xi32>, vector<16xi32>, vector<16xi32>, vector<16xi32>, vector<16xi32>, vector<16xi32>, vector<16xi32>)  : i32 {
          %get3A_336 = arith.index_cast %while3A_319 : i32 to index
          %get3A_337 = arith.constant 0 : index
          %get3A_338 = tpu.vector_load %arg6[%get3A_336, %get3A_337] {strides = array<i32>} : memref<192x128xi32, #tpu.memory_space<vmem>>, vector<1x16xi32>,
          %get3A_339 = vector.shape_cast %get3A_338 : vector<1x16xi32> to vector<16xi32>
          %max3A_340 = arith.maxsi %while3A_320, %get3A_339 : vector<16xi32>
          %and3A_341 = arith.constant 65535 : i32
          %and3A_342 = vector.broadcast %and3A_341 : i32 to vector<16xi32>
          %and3A_343 = arith.andi %get3A_339, %and3A_342 : vector<16xi32>
          %max3A_344 = arith.maxsi %while3A_328, %and3A_343 : vector<16xi32>
          %get3A_345 = arith.index_cast %while3A_319 : i32 to index
          %get3A_346 = arith.constant 16 : index
          %get3A_347 = tpu.vector_load %arg6[%get3A_345, %get3A_346] {strides = array<i32>} : memref<192x128xi32, #tpu.memory_space<vmem>>, vector<1x16xi32>,
          %get3A_348 = vector.shape_cast %get3A_347 : vector<1x16xi32> to vector<16xi32>
          %max3A_349 = arith.maxsi %while3A_321, %get3A_348 : vector<16xi32>
          %and3A_350 = arith.constant 65535 : i32
          %and3A_351 = vector.broadcast %and3A_350 : i32 to vector<16xi32>
          %and3A_352 = arith.andi %get3A_348, %and3A_351 : vector<16xi32>
          %max3A_353 = arith.maxsi %while3A_329, %and3A_352 : vector<16xi32>
          %get3A_354 = arith.index_cast %while3A_319 : i32 to index
          %get3A_355 = arith.constant 32 : index
          %get3A_356 = tpu.vector_load %arg6[%get3A_354, %get3A_355] {strides = array<i32>} : memref<192x128xi32, #tpu.memory_space<vmem>>, vector<1x16xi32>,
          %get3A_357 = vector.shape_cast %get3A_356 : vector<1x16xi32> to vector<16xi32>
          %max3A_358 = arith.maxsi %while3A_322, %get3A_357 : vector<16xi32>
          %and3A_359 = arith.constant 65535 : i32
          %and3A_360 = vector.broadcast %and3A_359 : i32 to vector<16xi32>
          %and3A_361 = arith.andi %get3A_357, %and3A_360 : vector<16xi32>
          %max3A_362 = arith.maxsi %while3A_330, %and3A_361 : vector<16xi32>
          %get3A_363 = arith.index_cast %while3A_319 : i32 to index
          %get3A_364 = arith.constant 48 : index
          %get3A_365 = tpu.vector_load %arg6[%get3A_363, %get3A_364] {strides = array<i32>} : memref<192x128xi32, #tpu.memory_space<vmem>>, vector<1x16xi32>,
          %get3A_366 = vector.shape_cast %get3A_365 : vector<1x16xi32> to vector<16xi32>
          %max3A_367 = arith.maxsi %while3A_323, %get3A_366 : vector<16xi32>
          %and3A_368 = arith.constant 65535 : i32
          %and3A_369 = vector.broadcast %and3A_368 : i32 to vector<16xi32>
          %and3A_370 = arith.andi %get3A_366, %and3A_369 : vector<16xi32>
          %max3A_371 = arith.maxsi %while3A_331, %and3A_370 : vector<16xi32>
          %get3A_372 = arith.index_cast %while3A_319 : i32 to index
          %get3A_373 = arith.constant 64 : index
          %get3A_374 = tpu.vector_load %arg6[%get3A_372, %get3A_373] {strides = array<i32>} : memref<192x128xi32, #tpu.memory_space<vmem>>, vector<1x16xi32>,
          %get3A_375 = vector.shape_cast %get3A_374 : vector<1x16xi32> to vector<16xi32>
          %max3A_376 = arith.maxsi %while3A_324, %get3A_375 : vector<16xi32>
          %and3A_377 = arith.constant 65535 : i32
          %and3A_378 = vector.broadcast %and3A_377 : i32 to vector<16xi32>
          %and3A_379 = arith.andi %get3A_375, %and3A_378 : vector<16xi32>
          %max3A_380 = arith.maxsi %while3A_332, %and3A_379 : vector<16xi32>
          %get3A_381 = arith.index_cast %while3A_319 : i32 to index
          %get3A_382 = arith.constant 80 : index
          %get3A_383 = tpu.vector_load %arg6[%get3A_381, %get3A_382] {strides = array<i32>} : memref<192x128xi32, #tpu.memory_space<vmem>>, vector<1x16xi32>,
          %get3A_384 = vector.shape_cast %get3A_383 : vector<1x16xi32> to vector<16xi32>
          %max3A_385 = arith.maxsi %while3A_325, %get3A_384 : vector<16xi32>
          %and3A_386 = arith.constant 65535 : i32
          %and3A_387 = vector.broadcast %and3A_386 : i32 to vector<16xi32>
          %and3A_388 = arith.andi %get3A_384, %and3A_387 : vector<16xi32>
          %max3A_389 = arith.maxsi %while3A_333, %and3A_388 : vector<16xi32>
          %get3A_390 = arith.index_cast %while3A_319 : i32 to index
          %get3A_391 = arith.constant 96 : index
          %get3A_392 = tpu.vector_load %arg6[%get3A_390, %get3A_391] {strides = array<i32>} : memref<192x128xi32, #tpu.memory_space<vmem>>, vector<1x16xi32>,
          %get3A_393 = vector.shape_cast %get3A_392 : vector<1x16xi32> to vector<16xi32>
          %max3A_394 = arith.maxsi %while3A_326, %get3A_393 : vector<16xi32>
          %and3A_395 = arith.constant 65535 : i32
          %and3A_396 = vector.broadcast %and3A_395 : i32 to vector<16xi32>
          %and3A_397 = arith.andi %get3A_393, %and3A_396 : vector<16xi32>
          %max3A_398 = arith.maxsi %while3A_334, %and3A_397 : vector<16xi32>
          %get3A_399 = arith.index_cast %while3A_319 : i32 to index
          %get3A_400 = arith.constant 112 : index
          %get3A_401 = tpu.vector_load %arg6[%get3A_399, %get3A_400] {strides = array<i32>} : memref<192x128xi32, #tpu.memory_space<vmem>>, vector<1x16xi32>,
          %get3A_402 = vector.shape_cast %get3A_401 : vector<1x16xi32> to vector<16xi32>
          %max3A_403 = arith.maxsi %while3A_327, %get3A_402 : vector<16xi32>
          %and3A_404 = arith.constant 65535 : i32
          %and3A_405 = vector.broadcast %and3A_404 : i32 to vector<16xi32>
          %and3A_406 = arith.andi %get3A_402, %and3A_405 : vector<16xi32>
          %max3A_407 = arith.maxsi %while3A_335, %and3A_406 : vector<16xi32>
          scf.yield %max3A_340, %max3A_349, %max3A_358, %max3A_367, %max3A_376, %max3A_385, %max3A_394, %max3A_403, %max3A_344, %max3A_353, %max3A_362, %max3A_371, %max3A_380, %max3A_389, %max3A_398, %max3A_407 : vector<16xi32>, vector<16xi32>, vector<16xi32>, vector<16xi32>, vector<16xi32>, vector<16xi32>, vector<16xi32>, vector<16xi32>, vector<16xi32>, vector<16xi32>, vector<16xi32>, vector<16xi32>, vector<16xi32>, vector<16xi32>, vector<16xi32>, vector<16xi32>
        }
        %while3A_154 = arith.constant 1 : i32
        %while3A_155:16 = scf.for %while3A_319 = %while3A_151 to %while3A_147 step %while3A_154 iter_args(%while3A_320 = %while3A_153#0, %while3A_321 = %while3A_153#1, %while3A_322 = %while3A_153#2, %while3A_323 = %while3A_153#3, %while3A_324 = %while3A_153#4, %while3A_325 = %while3A_153#5, %while3A_326 = %while3A_153#6, %while3A_327 = %while3A_153#7, %while3A_328 = %while3A_153#8, %while3A_329 = %while3A_153#9, %while3A_330 = %while3A_153#10, %while3A_331 = %while3A_153#11, %while3A_332 = %while3A_153#12, %while3A_333 = %while3A_153#13, %while3A_334 = %while3A_153#14, %while3A_335 = %while3A_153#15) -> (vector<16xi32>, vector<16xi32>, vector<16xi32>, vector<16xi32>, vector<16xi32>, vector<16xi32>, vector<16xi32>, vector<16xi32>, vector<16xi32>, vector<16xi32>, vector<16xi32>, vector<16xi32>, vector<16xi32>, vector<16xi32>, vector<16xi32>, vector<16xi32>)  : i32 {
          %get3A_336 = arith.index_cast %while3A_319 : i32 to index
          %get3A_337 = arith.constant 0 : index
          %get3A_338 = tpu.vector_load %arg6[%get3A_336, %get3A_337] {strides = array<i32>} : memref<192x128xi32, #tpu.memory_space<vmem>>, vector<1x16xi32>,
          %get3A_339 = vector.shape_cast %get3A_338 : vector<1x16xi32> to vector<16xi32>
          %max3A_340 = arith.maxsi %while3A_320, %get3A_339 : vector<16xi32>
          %and3A_341 = arith.constant 65535 : i32
          %and3A_342 = vector.broadcast %and3A_341 : i32 to vector<16xi32>
          %and3A_343 = arith.andi %get3A_339, %and3A_342 : vector<16xi32>
          %max3A_344 = arith.maxsi %while3A_328, %and3A_343 : vector<16xi32>
          %get3A_345 = arith.index_cast %while3A_319 : i32 to index
          %get3A_346 = arith.constant 16 : index
          %get3A_347 = tpu.vector_load %arg6[%get3A_345, %get3A_346] {strides = array<i32>} : memref<192x128xi32, #tpu.memory_space<vmem>>, vector<1x16xi32>,
          %get3A_348 = vector.shape_cast %get3A_347 : vector<1x16xi32> to vector<16xi32>
          %max3A_349 = arith.maxsi %while3A_321, %get3A_348 : vector<16xi32>
          %and3A_350 = arith.constant 65535 : i32
          %and3A_351 = vector.broadcast %and3A_350 : i32 to vector<16xi32>
          %and3A_352 = arith.andi %get3A_348, %and3A_351 : vector<16xi32>
          %max3A_353 = arith.maxsi %while3A_329, %and3A_352 : vector<16xi32>
          %get3A_354 = arith.index_cast %while3A_319 : i32 to index
          %get3A_355 = arith.constant 32 : index
          %get3A_356 = tpu.vector_load %arg6[%get3A_354, %get3A_355] {strides = array<i32>} : memref<192x128xi32, #tpu.memory_space<vmem>>, vector<1x16xi32>,
          %get3A_357 = vector.shape_cast %get3A_356 : vector<1x16xi32> to vector<16xi32>
          %max3A_358 = arith.maxsi %while3A_322, %get3A_357 : vector<16xi32>
          %and3A_359 = arith.constant 65535 : i32
          %and3A_360 = vector.broadcast %and3A_359 : i32 to vector<16xi32>
          %and3A_361 = arith.andi %get3A_357, %and3A_360 : vector<16xi32>
          %max3A_362 = arith.maxsi %while3A_330, %and3A_361 : vector<16xi32>
          %get3A_363 = arith.index_cast %while3A_319 : i32 to index
          %get3A_364 = arith.constant 48 : index
          %get3A_365 = tpu.vector_load %arg6[%get3A_363, %get3A_364] {strides = array<i32>} : memref<192x128xi32, #tpu.memory_space<vmem>>, vector<1x16xi32>,
          %get3A_366 = vector.shape_cast %get3A_365 : vector<1x16xi32> to vector<16xi32>
          %max3A_367 = arith.maxsi %while3A_323, %get3A_366 : vector<16xi32>
          %and3A_368 = arith.constant 65535 : i32
          %and3A_369 = vector.broadcast %and3A_368 : i32 to vector<16xi32>
          %and3A_370 = arith.andi %get3A_366, %and3A_369 : vector<16xi32>
          %max3A_371 = arith.maxsi %while3A_331, %and3A_370 : vector<16xi32>
          %get3A_372 = arith.index_cast %while3A_319 : i32 to index
          %get3A_373 = arith.constant 64 : index
          %get3A_374 = tpu.vector_load %arg6[%get3A_372, %get3A_373] {strides = array<i32>} : memref<192x128xi32, #tpu.memory_space<vmem>>, vector<1x16xi32>,
          %get3A_375 = vector.shape_cast %get3A_374 : vector<1x16xi32> to vector<16xi32>
          %max3A_376 = arith.maxsi %while3A_324, %get3A_375 : vector<16xi32>
          %and3A_377 = arith.constant 65535 : i32
          %and3A_378 = vector.broadcast %and3A_377 : i32 to vector<16xi32>
          %and3A_379 = arith.andi %get3A_375, %and3A_378 : vector<16xi32>
          %max3A_380 = arith.maxsi %while3A_332, %and3A_379 : vector<16xi32>
          %get3A_381 = arith.index_cast %while3A_319 : i32 to index
          %get3A_382 = arith.constant 80 : index
          %get3A_383 = tpu.vector_load %arg6[%get3A_381, %get3A_382] {strides = array<i32>} : memref<192x128xi32, #tpu.memory_space<vmem>>, vector<1x16xi32>,
          %get3A_384 = vector.shape_cast %get3A_383 : vector<1x16xi32> to vector<16xi32>
          %max3A_385 = arith.maxsi %while3A_325, %get3A_384 : vector<16xi32>
          %and3A_386 = arith.constant 65535 : i32
          %and3A_387 = vector.broadcast %and3A_386 : i32 to vector<16xi32>
          %and3A_388 = arith.andi %get3A_384, %and3A_387 : vector<16xi32>
          %max3A_389 = arith.maxsi %while3A_333, %and3A_388 : vector<16xi32>
          %get3A_390 = arith.index_cast %while3A_319 : i32 to index
          %get3A_391 = arith.constant 96 : index
          %get3A_392 = tpu.vector_load %arg6[%get3A_390, %get3A_391] {strides = array<i32>} : memref<192x128xi32, #tpu.memory_space<vmem>>, vector<1x16xi32>,
          %get3A_393 = vector.shape_cast %get3A_392 : vector<1x16xi32> to vector<16xi32>
          %max3A_394 = arith.maxsi %while3A_326, %get3A_393 : vector<16xi32>
          %and3A_395 = arith.constant 65535 : i32
          %and3A_396 = vector.broadcast %and3A_395 : i32 to vector<16xi32>
          %and3A_397 = arith.andi %get3A_393, %and3A_396 : vector<16xi32>
          %max3A_398 = arith.maxsi %while3A_334, %and3A_397 : vector<16xi32>
          %get3A_399 = arith.index_cast %while3A_319 : i32 to index
          %get3A_400 = arith.constant 112 : index
          %get3A_401 = tpu.vector_load %arg6[%get3A_399, %get3A_400] {strides = array<i32>} : memref<192x128xi32, #tpu.memory_space<vmem>>, vector<1x16xi32>,
          %get3A_402 = vector.shape_cast %get3A_401 : vector<1x16xi32> to vector<16xi32>
          %max3A_403 = arith.maxsi %while3A_327, %get3A_402 : vector<16xi32>
          %and3A_404 = arith.constant 65535 : i32
          %and3A_405 = vector.broadcast %and3A_404 : i32 to vector<16xi32>
          %and3A_406 = arith.andi %get3A_402, %and3A_405 : vector<16xi32>
          %max3A_407 = arith.maxsi %while3A_335, %and3A_406 : vector<16xi32>
          scf.yield %max3A_340, %max3A_349, %max3A_358, %max3A_367, %max3A_376, %max3A_385, %max3A_394, %max3A_403, %max3A_344, %max3A_353, %max3A_362, %max3A_371, %max3A_380, %max3A_389, %max3A_398, %max3A_407 : vector<16xi32>, vector<16xi32>, vector<16xi32>, vector<16xi32>, vector<16xi32>, vector<16xi32>, vector<16xi32>, vector<16xi32>, vector<16xi32>, vector<16xi32>, vector<16xi32>, vector<16xi32>, vector<16xi32>, vector<16xi32>, vector<16xi32>, vector<16xi32>
        }
        %sub3A_156 = arith.subi %shift_right_arithmetic3A_22, %multiple_of3A : i32
        %jit3A = arith.constant 0 : i32
        %jit3A_157 = arith.constant 191 : i32
        %max3A_158 = arith.maxsi %jit3A, %sub3A_156 : i32
        %min3A_159 = arith.minsi %jit3A_157, %max3A_158 : i32
        %ge3A = arith.cmpi sge, %shift_right_arithmetic3A_22, %multiple_of3A : i32
        %add3A_160 = arith.constant 192 : i32
        %add3A_161 = arith.addi %multiple_of3A, %add3A_160 : i32
        %lt3A = arith.cmpi slt, %shift_right_arithmetic3A_22, %add3A_161 : i32
        %and3A = arith.andi %ge3A, %lt3A : i1
        %and3A_162 = arith.andi %eq3A_26, %and3A : i1
        %sub3A_163 = arith.subi %shift_right_arithmetic3A_24, %multiple_of3A : i32
        %jit3A_164 = arith.constant 0 : i32
        %jit3A_165 = arith.constant 191 : i32
        %max3A_166 = arith.maxsi %jit3A_164, %sub3A_163 : i32
        %min3A_167 = arith.minsi %jit3A_165, %max3A_166 : i32
        %ge3A_168 = arith.cmpi sge, %shift_right_arithmetic3A_24, %multiple_of3A : i32
        %add3A_169 = arith.constant 192 : i32
        %add3A_170 = arith.addi %multiple_of3A, %add3A_169 : i32
        %lt3A_171 = arith.cmpi slt, %shift_right_arithmetic3A_24, %add3A_170 : i32
        %and3A_172 = arith.andi %ge3A_168, %lt3A_171 : i1
        %and3A_173 = arith.andi %eq3A_30, %and3A_172 : i1
        %broadcast_in_dim3A_174 = arith.constant 0 : i32
        %broadcast_in_dim3A_175 = vector.broadcast %broadcast_in_dim3A_174 : i32 to vector<16xi32>
        %get3A_176 = arith.index_cast %min3A_159 : i32 to index
        %get3A_177 = arith.constant 0 : index
        %get3A_178 = tpu.vector_load %arg6[%get3A_176, %get3A_177] {strides = array<i32>} : memref<192x128xi32, #tpu.memory_space<vmem>>, vector<1x16xi32>,
        %get3A_179 = vector.shape_cast %get3A_178 : vector<1x16xi32> to vector<16xi32>
        %and3A_180 = arith.constant -65536 : i32
        %and3A_181 = vector.broadcast %and3A_180 : i32 to vector<16xi32>
        %and3A_182 = arith.andi %get3A_179, %and3A_181 : vector<16xi32>
        %select_n3A = arith.select %and3A_162, %and3A_182, %broadcast_in_dim3A_175 : vector<16xi32>
        %max3A_183 = arith.maxsi %while3A_155#0, %select_n3A : vector<16xi32>
        %get3A_184 = arith.index_cast %min3A_167 : i32 to index
        %get3A_185 = arith.constant 0 : index
        %get3A_186 = tpu.vector_load %arg6[%get3A_184, %get3A_185] {strides = array<i32>} : memref<192x128xi32, #tpu.memory_space<vmem>>, vector<1x16xi32>,
        %get3A_187 = vector.shape_cast %get3A_186 : vector<1x16xi32> to vector<16xi32>
        %and3A_188 = arith.constant 65535 : i32
        %and3A_189 = vector.broadcast %and3A_188 : i32 to vector<16xi32>
        %and3A_190 = arith.andi %get3A_187, %and3A_189 : vector<16xi32>
        %select_n3A_191 = arith.select %and3A_173, %and3A_190, %broadcast_in_dim3A_175 : vector<16xi32>
        %max3A_192 = arith.maxsi %while3A_155#8, %select_n3A_191 : vector<16xi32>
        %get3A_193 = arith.index_cast %min3A_159 : i32 to index
        %get3A_194 = arith.constant 16 : index
        %get3A_195 = tpu.vector_load %arg6[%get3A_193, %get3A_194] {strides = array<i32>} : memref<192x128xi32, #tpu.memory_space<vmem>>, vector<1x16xi32>,
        %get3A_196 = vector.shape_cast %get3A_195 : vector<1x16xi32> to vector<16xi32>
        %and3A_197 = arith.constant -65536 : i32
        %and3A_198 = vector.broadcast %and3A_197 : i32 to vector<16xi32>
        %and3A_199 = arith.andi %get3A_196, %and3A_198 : vector<16xi32>
        %select_n3A_200 = arith.select %and3A_162, %and3A_199, %broadcast_in_dim3A_175 : vector<16xi32>
        %max3A_201 = arith.maxsi %while3A_155#1, %select_n3A_200 : vector<16xi32>
        %get3A_202 = arith.index_cast %min3A_167 : i32 to index
        %get3A_203 = arith.constant 16 : index
        %get3A_204 = tpu.vector_load %arg6[%get3A_202, %get3A_203] {strides = array<i32>} : memref<192x128xi32, #tpu.memory_space<vmem>>, vector<1x16xi32>,
        %get3A_205 = vector.shape_cast %get3A_204 : vector<1x16xi32> to vector<16xi32>
        %and3A_206 = arith.constant 65535 : i32
        %and3A_207 = vector.broadcast %and3A_206 : i32 to vector<16xi32>
        %and3A_208 = arith.andi %get3A_205, %and3A_207 : vector<16xi32>
        %select_n3A_209 = arith.select %and3A_173, %and3A_208, %broadcast_in_dim3A_175 : vector<16xi32>
        %max3A_210 = arith.maxsi %while3A_155#9, %select_n3A_209 : vector<16xi32>
        %get3A_211 = arith.index_cast %min3A_159 : i32 to index
        %get3A_212 = arith.constant 32 : index
        %get3A_213 = tpu.vector_load %arg6[%get3A_211, %get3A_212] {strides = array<i32>} : memref<192x128xi32, #tpu.memory_space<vmem>>, vector<1x16xi32>,
        %get3A_214 = vector.shape_cast %get3A_213 : vector<1x16xi32> to vector<16xi32>
        %and3A_215 = arith.constant -65536 : i32
        %and3A_216 = vector.broadcast %and3A_215 : i32 to vector<16xi32>
        %and3A_217 = arith.andi %get3A_214, %and3A_216 : vector<16xi32>
        %select_n3A_218 = arith.select %and3A_162, %and3A_217, %broadcast_in_dim3A_175 : vector<16xi32>
        %max3A_219 = arith.maxsi %while3A_155#2, %select_n3A_218 : vector<16xi32>
        %get3A_220 = arith.index_cast %min3A_167 : i32 to index
        %get3A_221 = arith.constant 32 : index
        %get3A_222 = tpu.vector_load %arg6[%get3A_220, %get3A_221] {strides = array<i32>} : memref<192x128xi32, #tpu.memory_space<vmem>>, vector<1x16xi32>,
        %get3A_223 = vector.shape_cast %get3A_222 : vector<1x16xi32> to vector<16xi32>
        %and3A_224 = arith.constant 65535 : i32
        %and3A_225 = vector.broadcast %and3A_224 : i32 to vector<16xi32>
        %and3A_226 = arith.andi %get3A_223, %and3A_225 : vector<16xi32>
        %select_n3A_227 = arith.select %and3A_173, %and3A_226, %broadcast_in_dim3A_175 : vector<16xi32>
        %max3A_228 = arith.maxsi %while3A_155#10, %select_n3A_227 : vector<16xi32>
        %get3A_229 = arith.index_cast %min3A_159 : i32 to index
        %get3A_230 = arith.constant 48 : index
        %get3A_231 = tpu.vector_load %arg6[%get3A_229, %get3A_230] {strides = array<i32>} : memref<192x128xi32, #tpu.memory_space<vmem>>, vector<1x16xi32>,
        %get3A_232 = vector.shape_cast %get3A_231 : vector<1x16xi32> to vector<16xi32>
        %and3A_233 = arith.constant -65536 : i32
        %and3A_234 = vector.broadcast %and3A_233 : i32 to vector<16xi32>
        %and3A_235 = arith.andi %get3A_232, %and3A_234 : vector<16xi32>
        %select_n3A_236 = arith.select %and3A_162, %and3A_235, %broadcast_in_dim3A_175 : vector<16xi32>
        %max3A_237 = arith.maxsi %while3A_155#3, %select_n3A_236 : vector<16xi32>
        %get3A_238 = arith.index_cast %min3A_167 : i32 to index
        %get3A_239 = arith.constant 48 : index
        %get3A_240 = tpu.vector_load %arg6[%get3A_238, %get3A_239] {strides = array<i32>} : memref<192x128xi32, #tpu.memory_space<vmem>>, vector<1x16xi32>,
        %get3A_241 = vector.shape_cast %get3A_240 : vector<1x16xi32> to vector<16xi32>
        %and3A_242 = arith.constant 65535 : i32
        %and3A_243 = vector.broadcast %and3A_242 : i32 to vector<16xi32>
        %and3A_244 = arith.andi %get3A_241, %and3A_243 : vector<16xi32>
        %select_n3A_245 = arith.select %and3A_173, %and3A_244, %broadcast_in_dim3A_175 : vector<16xi32>
        %max3A_246 = arith.maxsi %while3A_155#11, %select_n3A_245 : vector<16xi32>
        %get3A_247 = arith.index_cast %min3A_159 : i32 to index
        %get3A_248 = arith.constant 64 : index
        %get3A_249 = tpu.vector_load %arg6[%get3A_247, %get3A_248] {strides = array<i32>} : memref<192x128xi32, #tpu.memory_space<vmem>>, vector<1x16xi32>,
        %get3A_250 = vector.shape_cast %get3A_249 : vector<1x16xi32> to vector<16xi32>
        %and3A_251 = arith.constant -65536 : i32
        %and3A_252 = vector.broadcast %and3A_251 : i32 to vector<16xi32>
        %and3A_253 = arith.andi %get3A_250, %and3A_252 : vector<16xi32>
        %select_n3A_254 = arith.select %and3A_162, %and3A_253, %broadcast_in_dim3A_175 : vector<16xi32>
        %max3A_255 = arith.maxsi %while3A_155#4, %select_n3A_254 : vector<16xi32>
        %get3A_256 = arith.index_cast %min3A_167 : i32 to index
        %get3A_257 = arith.constant 64 : index
        %get3A_258 = tpu.vector_load %arg6[%get3A_256, %get3A_257] {strides = array<i32>} : memref<192x128xi32, #tpu.memory_space<vmem>>, vector<1x16xi32>,
        %get3A_259 = vector.shape_cast %get3A_258 : vector<1x16xi32> to vector<16xi32>
        %and3A_260 = arith.constant 65535 : i32
        %and3A_261 = vector.broadcast %and3A_260 : i32 to vector<16xi32>
        %and3A_262 = arith.andi %get3A_259, %and3A_261 : vector<16xi32>
        %select_n3A_263 = arith.select %and3A_173, %and3A_262, %broadcast_in_dim3A_175 : vector<16xi32>
        %max3A_264 = arith.maxsi %while3A_155#12, %select_n3A_263 : vector<16xi32>
        %get3A_265 = arith.index_cast %min3A_159 : i32 to index
        %get3A_266 = arith.constant 80 : index
        %get3A_267 = tpu.vector_load %arg6[%get3A_265, %get3A_266] {strides = array<i32>} : memref<192x128xi32, #tpu.memory_space<vmem>>, vector<1x16xi32>,
        %get3A_268 = vector.shape_cast %get3A_267 : vector<1x16xi32> to vector<16xi32>
        %and3A_269 = arith.constant -65536 : i32
        %and3A_270 = vector.broadcast %and3A_269 : i32 to vector<16xi32>
        %and3A_271 = arith.andi %get3A_268, %and3A_270 : vector<16xi32>
        %select_n3A_272 = arith.select %and3A_162, %and3A_271, %broadcast_in_dim3A_175 : vector<16xi32>
        %max3A_273 = arith.maxsi %while3A_155#5, %select_n3A_272 : vector<16xi32>
        %get3A_274 = arith.index_cast %min3A_167 : i32 to index
        %get3A_275 = arith.constant 80 : index
        %get3A_276 = tpu.vector_load %arg6[%get3A_274, %get3A_275] {strides = array<i32>} : memref<192x128xi32, #tpu.memory_space<vmem>>, vector<1x16xi32>,
        %get3A_277 = vector.shape_cast %get3A_276 : vector<1x16xi32> to vector<16xi32>
        %and3A_278 = arith.constant 65535 : i32
        %and3A_279 = vector.broadcast %and3A_278 : i32 to vector<16xi32>
        %and3A_280 = arith.andi %get3A_277, %and3A_279 : vector<16xi32>
        %select_n3A_281 = arith.select %and3A_173, %and3A_280, %broadcast_in_dim3A_175 : vector<16xi32>
        %max3A_282 = arith.maxsi %while3A_155#13, %select_n3A_281 : vector<16xi32>
        %get3A_283 = arith.index_cast %min3A_159 : i32 to index
        %get3A_284 = arith.constant 96 : index
        %get3A_285 = tpu.vector_load %arg6[%get3A_283, %get3A_284] {strides = array<i32>} : memref<192x128xi32, #tpu.memory_space<vmem>>, vector<1x16xi32>,
        %get3A_286 = vector.shape_cast %get3A_285 : vector<1x16xi32> to vector<16xi32>
        %and3A_287 = arith.constant -65536 : i32
        %and3A_288 = vector.broadcast %and3A_287 : i32 to vector<16xi32>
        %and3A_289 = arith.andi %get3A_286, %and3A_288 : vector<16xi32>
        %select_n3A_290 = arith.select %and3A_162, %and3A_289, %broadcast_in_dim3A_175 : vector<16xi32>
        %max3A_291 = arith.maxsi %while3A_155#6, %select_n3A_290 : vector<16xi32>
        %get3A_292 = arith.index_cast %min3A_167 : i32 to index
        %get3A_293 = arith.constant 96 : index
        %get3A_294 = tpu.vector_load %arg6[%get3A_292, %get3A_293] {strides = array<i32>} : memref<192x128xi32, #tpu.memory_space<vmem>>, vector<1x16xi32>,
        %get3A_295 = vector.shape_cast %get3A_294 : vector<1x16xi32> to vector<16xi32>
        %and3A_296 = arith.constant 65535 : i32
        %and3A_297 = vector.broadcast %and3A_296 : i32 to vector<16xi32>
        %and3A_298 = arith.andi %get3A_295, %and3A_297 : vector<16xi32>
        %select_n3A_299 = arith.select %and3A_173, %and3A_298, %broadcast_in_dim3A_175 : vector<16xi32>
        %max3A_300 = arith.maxsi %while3A_155#14, %select_n3A_299 : vector<16xi32>
        %get3A_301 = arith.index_cast %min3A_159 : i32 to index
        %get3A_302 = arith.constant 112 : index
        %get3A_303 = tpu.vector_load %arg6[%get3A_301, %get3A_302] {strides = array<i32>} : memref<192x128xi32, #tpu.memory_space<vmem>>, vector<1x16xi32>,
        %get3A_304 = vector.shape_cast %get3A_303 : vector<1x16xi32> to vector<16xi32>
        %and3A_305 = arith.constant -65536 : i32
        %and3A_306 = vector.broadcast %and3A_305 : i32 to vector<16xi32>
        %and3A_307 = arith.andi %get3A_304, %and3A_306 : vector<16xi32>
        %select_n3A_308 = arith.select %and3A_162, %and3A_307, %broadcast_in_dim3A_175 : vector<16xi32>
        %max3A_309 = arith.maxsi %while3A_155#7, %select_n3A_308 : vector<16xi32>
        %get3A_310 = arith.index_cast %min3A_167 : i32 to index
        %get3A_311 = arith.constant 112 : index
        %get3A_312 = tpu.vector_load %arg6[%get3A_310, %get3A_311] {strides = array<i32>} : memref<192x128xi32, #tpu.memory_space<vmem>>, vector<1x16xi32>,
        %get3A_313 = vector.shape_cast %get3A_312 : vector<1x16xi32> to vector<16xi32>
        %and3A_314 = arith.constant 65535 : i32
        %and3A_315 = vector.broadcast %and3A_314 : i32 to vector<16xi32>
        %and3A_316 = arith.andi %get3A_313, %and3A_315 : vector<16xi32>
        %select_n3A_317 = arith.select %and3A_173, %and3A_316, %broadcast_in_dim3A_175 : vector<16xi32>
        %max3A_318 = arith.maxsi %while3A_155#15, %select_n3A_317 : vector<16xi32>
        scf.yield %max3A_183, %max3A_201, %max3A_219, %max3A_237, %max3A_255, %max3A_273, %max3A_291, %max3A_309, %max3A_192, %max3A_210, %max3A_228, %max3A_246, %max3A_264, %max3A_282, %max3A_300, %max3A_318 : vector<16xi32>, vector<16xi32>, vector<16xi32>, vector<16xi32>, vector<16xi32>, vector<16xi32>, vector<16xi32>, vector<16xi32>, vector<16xi32>, vector<16xi32>, vector<16xi32>, vector<16xi32>, vector<16xi32>, vector<16xi32>, vector<16xi32>, vector<16xi32>
      }
      %while3A_48 = arith.constant 1 : i32
      %while3A_49:16 = scf.for %while3A_121 = %while3A_45 to %while3A_41 step %while3A_48 iter_args(%while3A_122 = %while3A_47#0, %while3A_123 = %while3A_47#1, %while3A_124 = %while3A_47#2, %while3A_125 = %while3A_47#3, %while3A_126 = %while3A_47#4, %while3A_127 = %while3A_47#5, %while3A_128 = %while3A_47#6, %while3A_129 = %while3A_47#7, %while3A_130 = %while3A_47#8, %while3A_131 = %while3A_47#9, %while3A_132 = %while3A_47#10, %while3A_133 = %while3A_47#11, %while3A_134 = %while3A_47#12, %while3A_135 = %while3A_47#13, %while3A_136 = %while3A_47#14, %while3A_137 = %while3A_47#15) -> (vector<16xi32>, vector<16xi32>, vector<16xi32>, vector<16xi32>, vector<16xi32>, vector<16xi32>, vector<16xi32>, vector<16xi32>, vector<16xi32>, vector<16xi32>, vector<16xi32>, vector<16xi32>, vector<16xi32>, vector<16xi32>, vector<16xi32>, vector<16xi32>)  : i32 {
        %mul3A_138 = arith.constant 192 : i32
        %mul3A_139 = arith.muli %while3A_121, %mul3A_138 : i32
        %add3A_140 = arith.addi %sub3A, %mul3A_139 : i32
        %multiple_of3A = tpu.assume_multiple %add3A_140, 8 : i32
        "tpu.region"() ({
          %run_scoped3A = tpu.sem_alloc : memref<!tpu.dma_semaphore, #tpu.memory_space<semaphore_mem>>
          %dma_start3A = tpu.memref_bitcast %arg2 : memref<323584x128xbf16, #tpu.memory_space<hbm>> -> memref<161792x128xi32, #tpu.memory_space<hbm>>
          %dma_start3A_319 = arith.constant 0 : i32
          %dma_start3A_320 = tpu.memref_slice %dma_start3A[%multiple_of3A, %dma_start3A_319] : memref<161792x128xi32, #tpu.memory_space<hbm>> -> memref<192x128xi32, #tpu.memory_space<hbm>>
          %dma_start3A_321 = tpu.memref_bitcast %arg2 : memref<323584x128xbf16, #tpu.memory_space<hbm>> -> memref<161792x128xi32, #tpu.memory_space<hbm>>
          %dma_start3A_322 = arith.constant 0 : i32
          %dma_start3A_323 = tpu.memref_slice %dma_start3A_321[%multiple_of3A, %dma_start3A_322] : memref<161792x128xi32, #tpu.memory_space<hbm>> -> memref<192x128xi32, #tpu.memory_space<hbm>>
          tpu.enqueue_dma source(%dma_start3A_323 : memref<192x128xi32, #tpu.memory_space<hbm>>) target(%arg6 : memref<192x128xi32, #tpu.memory_space<vmem>>) target_semaphore(%run_scoped3A : memref<!tpu.dma_semaphore, #tpu.memory_space<semaphore_mem>>)
          %dma_wait3A = tpu.memref_bitcast %arg2 : memref<323584x128xbf16, #tpu.memory_space<hbm>> -> memref<161792x128xi32, #tpu.memory_space<hbm>>
          %dma_wait3A_324 = arith.constant 0 : i32
          %dma_wait3A_325 = tpu.memref_slice %dma_wait3A[%multiple_of3A, %dma_wait3A_324] : memref<161792x128xi32, #tpu.memory_space<hbm>> -> memref<192x128xi32, #tpu.memory_space<hbm>>
          %dma_wait3A_326 = tpu.memref_bitcast %arg2 : memref<323584x128xbf16, #tpu.memory_space<hbm>> -> memref<161792x128xi32, #tpu.memory_space<hbm>>
          %dma_wait3A_327 = arith.constant 0 : i32
          %dma_wait3A_328 = tpu.memref_slice %dma_wait3A_326[%multiple_of3A, %dma_wait3A_327] : memref<161792x128xi32, #tpu.memory_space<hbm>> -> memref<192x128xi32, #tpu.memory_space<hbm>>
          tpu.wait_dma2 semaphore(%run_scoped3A : memref<!tpu.dma_semaphore, #tpu.memory_space<semaphore_mem>>) src(%dma_wait3A_328 : memref<192x128xi32, #tpu.memory_space<hbm>>) dst(%arg6 : memref<192x128xi32, #tpu.memory_space<vmem>>)
          tpu.yield
        }) : () -> ()
        %sub3A_141 = arith.subi %shift_right_arithmetic3A_18, %multiple_of3A : i32
        %max3A_142 = arith.constant 0 : i32
        %max3A_143 = arith.maxsi %sub3A_141, %max3A_142 : i32
        %sub3A_144 = arith.subi %shift_right_arithmetic3A_20, %multiple_of3A : i32
        %min3A = arith.constant 192 : i32
        %min3A_145 = arith.minsi %min3A, %sub3A_144 : i32
        %while3A_146 = arith.subi %min3A_145, %max3A_143 : i32
        %while3A_147 = arith.addi %max3A_143, %while3A_146 : i32
        %while3A_148 = arith.constant 1 : i32
        %while3A_149 = arith.divsi %while3A_146, %while3A_148 : i32
        %while3A_150 = arith.muli %while3A_149, %while3A_148 : i32
        %while3A_151 = arith.addi %max3A_143, %while3A_150 : i32
        %while3A_152 = arith.constant 1 : i32
        %while3A_153:16 = scf.for %while3A_319 = %max3A_143 to %while3A_151 step %while3A_152 iter_args(%while3A_320 = %while3A_122, %while3A_321 = %while3A_123, %while3A_322 = %while3A_124, %while3A_323 = %while3A_125, %while3A_324 = %while3A_126, %while3A_325 = %while3A_127, %while3A_326 = %while3A_128, %while3A_327 = %while3A_129, %while3A_328 = %while3A_130, %while3A_329 = %while3A_131, %while3A_330 = %while3A_132, %while3A_331 = %while3A_133, %while3A_332 = %while3A_134, %while3A_333 = %while3A_135, %while3A_334 = %while3A_136, %while3A_335 = %while3A_137) -> (vector<16xi32>, vector<16xi32>, vector<16xi32>, vector<16xi32>, vector<16xi32>, vector<16xi32>, vector<16xi32>, vector<16xi32>, vector<16xi32>, vector<16xi32>, vector<16xi32>, vector<16xi32>, vector<16xi32>, vector<16xi32>, vector<16xi32>, vector<16xi32>)  : i32 {
          %get3A_336 = arith.index_cast %while3A_319 : i32 to index
          %get3A_337 = arith.constant 0 : index
          %get3A_338 = tpu.vector_load %arg6[%get3A_336, %get3A_337] {strides = array<i32>} : memref<192x128xi32, #tpu.memory_space<vmem>>, vector<1x16xi32>,
          %get3A_339 = vector.shape_cast %get3A_338 : vector<1x16xi32> to vector<16xi32>
          %max3A_340 = arith.maxsi %while3A_320, %get3A_339 : vector<16xi32>
          %and3A_341 = arith.constant 65535 : i32
          %and3A_342 = vector.broadcast %and3A_341 : i32 to vector<16xi32>
          %and3A_343 = arith.andi %get3A_339, %and3A_342 : vector<16xi32>
          %max3A_344 = arith.maxsi %while3A_328, %and3A_343 : vector<16xi32>
          %get3A_345 = arith.index_cast %while3A_319 : i32 to index
          %get3A_346 = arith.constant 16 : index
          %get3A_347 = tpu.vector_load %arg6[%get3A_345, %get3A_346] {strides = array<i32>} : memref<192x128xi32, #tpu.memory_space<vmem>>, vector<1x16xi32>,
          %get3A_348 = vector.shape_cast %get3A_347 : vector<1x16xi32> to vector<16xi32>
          %max3A_349 = arith.maxsi %while3A_321, %get3A_348 : vector<16xi32>
          %and3A_350 = arith.constant 65535 : i32
          %and3A_351 = vector.broadcast %and3A_350 : i32 to vector<16xi32>
          %and3A_352 = arith.andi %get3A_348, %and3A_351 : vector<16xi32>
          %max3A_353 = arith.maxsi %while3A_329, %and3A_352 : vector<16xi32>
          %get3A_354 = arith.index_cast %while3A_319 : i32 to index
          %get3A_355 = arith.constant 32 : index
          %get3A_356 = tpu.vector_load %arg6[%get3A_354, %get3A_355] {strides = array<i32>} : memref<192x128xi32, #tpu.memory_space<vmem>>, vector<1x16xi32>,
          %get3A_357 = vector.shape_cast %get3A_356 : vector<1x16xi32> to vector<16xi32>
          %max3A_358 = arith.maxsi %while3A_322, %get3A_357 : vector<16xi32>
          %and3A_359 = arith.constant 65535 : i32
          %and3A_360 = vector.broadcast %and3A_359 : i32 to vector<16xi32>
          %and3A_361 = arith.andi %get3A_357, %and3A_360 : vector<16xi32>
          %max3A_362 = arith.maxsi %while3A_330, %and3A_361 : vector<16xi32>
          %get3A_363 = arith.index_cast %while3A_319 : i32 to index
          %get3A_364 = arith.constant 48 : index
          %get3A_365 = tpu.vector_load %arg6[%get3A_363, %get3A_364] {strides = array<i32>} : memref<192x128xi32, #tpu.memory_space<vmem>>, vector<1x16xi32>,
          %get3A_366 = vector.shape_cast %get3A_365 : vector<1x16xi32> to vector<16xi32>
          %max3A_367 = arith.maxsi %while3A_323, %get3A_366 : vector<16xi32>
          %and3A_368 = arith.constant 65535 : i32
          %and3A_369 = vector.broadcast %and3A_368 : i32 to vector<16xi32>
          %and3A_370 = arith.andi %get3A_366, %and3A_369 : vector<16xi32>
          %max3A_371 = arith.maxsi %while3A_331, %and3A_370 : vector<16xi32>
          %get3A_372 = arith.index_cast %while3A_319 : i32 to index
          %get3A_373 = arith.constant 64 : index
          %get3A_374 = tpu.vector_load %arg6[%get3A_372, %get3A_373] {strides = array<i32>} : memref<192x128xi32, #tpu.memory_space<vmem>>, vector<1x16xi32>,
          %get3A_375 = vector.shape_cast %get3A_374 : vector<1x16xi32> to vector<16xi32>
          %max3A_376 = arith.maxsi %while3A_324, %get3A_375 : vector<16xi32>
          %and3A_377 = arith.constant 65535 : i32
          %and3A_378 = vector.broadcast %and3A_377 : i32 to vector<16xi32>
          %and3A_379 = arith.andi %get3A_375, %and3A_378 : vector<16xi32>
          %max3A_380 = arith.maxsi %while3A_332, %and3A_379 : vector<16xi32>
          %get3A_381 = arith.index_cast %while3A_319 : i32 to index
          %get3A_382 = arith.constant 80 : index
          %get3A_383 = tpu.vector_load %arg6[%get3A_381, %get3A_382] {strides = array<i32>} : memref<192x128xi32, #tpu.memory_space<vmem>>, vector<1x16xi32>,
          %get3A_384 = vector.shape_cast %get3A_383 : vector<1x16xi32> to vector<16xi32>
          %max3A_385 = arith.maxsi %while3A_325, %get3A_384 : vector<16xi32>
          %and3A_386 = arith.constant 65535 : i32
          %and3A_387 = vector.broadcast %and3A_386 : i32 to vector<16xi32>
          %and3A_388 = arith.andi %get3A_384, %and3A_387 : vector<16xi32>
          %max3A_389 = arith.maxsi %while3A_333, %and3A_388 : vector<16xi32>
          %get3A_390 = arith.index_cast %while3A_319 : i32 to index
          %get3A_391 = arith.constant 96 : index
          %get3A_392 = tpu.vector_load %arg6[%get3A_390, %get3A_391] {strides = array<i32>} : memref<192x128xi32, #tpu.memory_space<vmem>>, vector<1x16xi32>,
          %get3A_393 = vector.shape_cast %get3A_392 : vector<1x16xi32> to vector<16xi32>
          %max3A_394 = arith.maxsi %while3A_326, %get3A_393 : vector<16xi32>
          %and3A_395 = arith.constant 65535 : i32
          %and3A_396 = vector.broadcast %and3A_395 : i32 to vector<16xi32>
          %and3A_397 = arith.andi %get3A_393, %and3A_396 : vector<16xi32>
          %max3A_398 = arith.maxsi %while3A_334, %and3A_397 : vector<16xi32>
          %get3A_399 = arith.index_cast %while3A_319 : i32 to index
          %get3A_400 = arith.constant 112 : index
          %get3A_401 = tpu.vector_load %arg6[%get3A_399, %get3A_400] {strides = array<i32>} : memref<192x128xi32, #tpu.memory_space<vmem>>, vector<1x16xi32>,
          %get3A_402 = vector.shape_cast %get3A_401 : vector<1x16xi32> to vector<16xi32>
          %max3A_403 = arith.maxsi %while3A_327, %get3A_402 : vector<16xi32>
          %and3A_404 = arith.constant 65535 : i32
          %and3A_405 = vector.broadcast %and3A_404 : i32 to vector<16xi32>
          %and3A_406 = arith.andi %get3A_402, %and3A_405 : vector<16xi32>
          %max3A_407 = arith.maxsi %while3A_335, %and3A_406 : vector<16xi32>
          scf.yield %max3A_340, %max3A_349, %max3A_358, %max3A_367, %max3A_376, %max3A_385, %max3A_394, %max3A_403, %max3A_344, %max3A_353, %max3A_362, %max3A_371, %max3A_380, %max3A_389, %max3A_398, %max3A_407 : vector<16xi32>, vector<16xi32>, vector<16xi32>, vector<16xi32>, vector<16xi32>, vector<16xi32>, vector<16xi32>, vector<16xi32>, vector<16xi32>, vector<16xi32>, vector<16xi32>, vector<16xi32>, vector<16xi32>, vector<16xi32>, vector<16xi32>, vector<16xi32>
        }
        %while3A_154 = arith.constant 1 : i32
        %while3A_155:16 = scf.for %while3A_319 = %while3A_151 to %while3A_147 step %while3A_154 iter_args(%while3A_320 = %while3A_153#0, %while3A_321 = %while3A_153#1, %while3A_322 = %while3A_153#2, %while3A_323 = %while3A_153#3, %while3A_324 = %while3A_153#4, %while3A_325 = %while3A_153#5, %while3A_326 = %while3A_153#6, %while3A_327 = %while3A_153#7, %while3A_328 = %while3A_153#8, %while3A_329 = %while3A_153#9, %while3A_330 = %while3A_153#10, %while3A_331 = %while3A_153#11, %while3A_332 = %while3A_153#12, %while3A_333 = %while3A_153#13, %while3A_334 = %while3A_153#14, %while3A_335 = %while3A_153#15) -> (vector<16xi32>, vector<16xi32>, vector<16xi32>, vector<16xi32>, vector<16xi32>, vector<16xi32>, vector<16xi32>, vector<16xi32>, vector<16xi32>, vector<16xi32>, vector<16xi32>, vector<16xi32>, vector<16xi32>, vector<16xi32>, vector<16xi32>, vector<16xi32>)  : i32 {
          %get3A_336 = arith.index_cast %while3A_319 : i32 to index
          %get3A_337 = arith.constant 0 : index
          %get3A_338 = tpu.vector_load %arg6[%get3A_336, %get3A_337] {strides = array<i32>} : memref<192x128xi32, #tpu.memory_space<vmem>>, vector<1x16xi32>,
          %get3A_339 = vector.shape_cast %get3A_338 : vector<1x16xi32> to vector<16xi32>
          %max3A_340 = arith.maxsi %while3A_320, %get3A_339 : vector<16xi32>
          %and3A_341 = arith.constant 65535 : i32
          %and3A_342 = vector.broadcast %and3A_341 : i32 to vector<16xi32>
          %and3A_343 = arith.andi %get3A_339, %and3A_342 : vector<16xi32>
          %max3A_344 = arith.maxsi %while3A_328, %and3A_343 : vector<16xi32>
          %get3A_345 = arith.index_cast %while3A_319 : i32 to index
          %get3A_346 = arith.constant 16 : index
          %get3A_347 = tpu.vector_load %arg6[%get3A_345, %get3A_346] {strides = array<i32>} : memref<192x128xi32, #tpu.memory_space<vmem>>, vector<1x16xi32>,
          %get3A_348 = vector.shape_cast %get3A_347 : vector<1x16xi32> to vector<16xi32>
          %max3A_349 = arith.maxsi %while3A_321, %get3A_348 : vector<16xi32>
          %and3A_350 = arith.constant 65535 : i32
          %and3A_351 = vector.broadcast %and3A_350 : i32 to vector<16xi32>
          %and3A_352 = arith.andi %get3A_348, %and3A_351 : vector<16xi32>
          %max3A_353 = arith.maxsi %while3A_329, %and3A_352 : vector<16xi32>
          %get3A_354 = arith.index_cast %while3A_319 : i32 to index
          %get3A_355 = arith.constant 32 : index
          %get3A_356 = tpu.vector_load %arg6[%get3A_354, %get3A_355] {strides = array<i32>} : memref<192x128xi32, #tpu.memory_space<vmem>>, vector<1x16xi32>,
          %get3A_357 = vector.shape_cast %get3A_356 : vector<1x16xi32> to vector<16xi32>
          %max3A_358 = arith.maxsi %while3A_322, %get3A_357 : vector<16xi32>
          %and3A_359 = arith.constant 65535 : i32
          %and3A_360 = vector.broadcast %and3A_359 : i32 to vector<16xi32>
          %and3A_361 = arith.andi %get3A_357, %and3A_360 : vector<16xi32>
          %max3A_362 = arith.maxsi %while3A_330, %and3A_361 : vector<16xi32>
          %get3A_363 = arith.index_cast %while3A_319 : i32 to index
          %get3A_364 = arith.constant 48 : index
          %get3A_365 = tpu.vector_load %arg6[%get3A_363, %get3A_364] {strides = array<i32>} : memref<192x128xi32, #tpu.memory_space<vmem>>, vector<1x16xi32>,
          %get3A_366 = vector.shape_cast %get3A_365 : vector<1x16xi32> to vector<16xi32>
          %max3A_367 = arith.maxsi %while3A_323, %get3A_366 : vector<16xi32>
          %and3A_368 = arith.constant 65535 : i32
          %and3A_369 = vector.broadcast %and3A_368 : i32 to vector<16xi32>
          %and3A_370 = arith.andi %get3A_366, %and3A_369 : vector<16xi32>
          %max3A_371 = arith.maxsi %while3A_331, %and3A_370 : vector<16xi32>
          %get3A_372 = arith.index_cast %while3A_319 : i32 to index
          %get3A_373 = arith.constant 64 : index
          %get3A_374 = tpu.vector_load %arg6[%get3A_372, %get3A_373] {strides = array<i32>} : memref<192x128xi32, #tpu.memory_space<vmem>>, vector<1x16xi32>,
          %get3A_375 = vector.shape_cast %get3A_374 : vector<1x16xi32> to vector<16xi32>
          %max3A_376 = arith.maxsi %while3A_324, %get3A_375 : vector<16xi32>
          %and3A_377 = arith.constant 65535 : i32
          %and3A_378 = vector.broadcast %and3A_377 : i32 to vector<16xi32>
          %and3A_379 = arith.andi %get3A_375, %and3A_378 : vector<16xi32>
          %max3A_380 = arith.maxsi %while3A_332, %and3A_379 : vector<16xi32>
          %get3A_381 = arith.index_cast %while3A_319 : i32 to index
          %get3A_382 = arith.constant 80 : index
          %get3A_383 = tpu.vector_load %arg6[%get3A_381, %get3A_382] {strides = array<i32>} : memref<192x128xi32, #tpu.memory_space<vmem>>, vector<1x16xi32>,
          %get3A_384 = vector.shape_cast %get3A_383 : vector<1x16xi32> to vector<16xi32>
          %max3A_385 = arith.maxsi %while3A_325, %get3A_384 : vector<16xi32>
          %and3A_386 = arith.constant 65535 : i32
          %and3A_387 = vector.broadcast %and3A_386 : i32 to vector<16xi32>
          %and3A_388 = arith.andi %get3A_384, %and3A_387 : vector<16xi32>
          %max3A_389 = arith.maxsi %while3A_333, %and3A_388 : vector<16xi32>
          %get3A_390 = arith.index_cast %while3A_319 : i32 to index
          %get3A_391 = arith.constant 96 : index
          %get3A_392 = tpu.vector_load %arg6[%get3A_390, %get3A_391] {strides = array<i32>} : memref<192x128xi32, #tpu.memory_space<vmem>>, vector<1x16xi32>,
          %get3A_393 = vector.shape_cast %get3A_392 : vector<1x16xi32> to vector<16xi32>
          %max3A_394 = arith.maxsi %while3A_326, %get3A_393 : vector<16xi32>
          %and3A_395 = arith.constant 65535 : i32
          %and3A_396 = vector.broadcast %and3A_395 : i32 to vector<16xi32>
          %and3A_397 = arith.andi %get3A_393, %and3A_396 : vector<16xi32>
          %max3A_398 = arith.maxsi %while3A_334, %and3A_397 : vector<16xi32>
          %get3A_399 = arith.index_cast %while3A_319 : i32 to index
          %get3A_400 = arith.constant 112 : index
          %get3A_401 = tpu.vector_load %arg6[%get3A_399, %get3A_400] {strides = array<i32>} : memref<192x128xi32, #tpu.memory_space<vmem>>, vector<1x16xi32>,
          %get3A_402 = vector.shape_cast %get3A_401 : vector<1x16xi32> to vector<16xi32>
          %max3A_403 = arith.maxsi %while3A_327, %get3A_402 : vector<16xi32>
          %and3A_404 = arith.constant 65535 : i32
          %and3A_405 = vector.broadcast %and3A_404 : i32 to vector<16xi32>
          %and3A_406 = arith.andi %get3A_402, %and3A_405 : vector<16xi32>
          %max3A_407 = arith.maxsi %while3A_335, %and3A_406 : vector<16xi32>
          scf.yield %max3A_340, %max3A_349, %max3A_358, %max3A_367, %max3A_376, %max3A_385, %max3A_394, %max3A_403, %max3A_344, %max3A_353, %max3A_362, %max3A_371, %max3A_380, %max3A_389, %max3A_398, %max3A_407 : vector<16xi32>, vector<16xi32>, vector<16xi32>, vector<16xi32>, vector<16xi32>, vector<16xi32>, vector<16xi32>, vector<16xi32>, vector<16xi32>, vector<16xi32>, vector<16xi32>, vector<16xi32>, vector<16xi32>, vector<16xi32>, vector<16xi32>, vector<16xi32>
        }
        %sub3A_156 = arith.subi %shift_right_arithmetic3A_22, %multiple_of3A : i32
        %jit3A = arith.constant 0 : i32
        %jit3A_157 = arith.constant 191 : i32
        %max3A_158 = arith.maxsi %jit3A, %sub3A_156 : i32
        %min3A_159 = arith.minsi %jit3A_157, %max3A_158 : i32
        %ge3A = arith.cmpi sge, %shift_right_arithmetic3A_22, %multiple_of3A : i32
        %add3A_160 = arith.constant 192 : i32
        %add3A_161 = arith.addi %multiple_of3A, %add3A_160 : i32
        %lt3A = arith.cmpi slt, %shift_right_arithmetic3A_22, %add3A_161 : i32
        %and3A = arith.andi %ge3A, %lt3A : i1
        %and3A_162 = arith.andi %eq3A_26, %and3A : i1
        %sub3A_163 = arith.subi %shift_right_arithmetic3A_24, %multiple_of3A : i32
        %jit3A_164 = arith.constant 0 : i32
        %jit3A_165 = arith.constant 191 : i32
        %max3A_166 = arith.maxsi %jit3A_164, %sub3A_163 : i32
        %min3A_167 = arith.minsi %jit3A_165, %max3A_166 : i32
        %ge3A_168 = arith.cmpi sge, %shift_right_arithmetic3A_24, %multiple_of3A : i32
        %add3A_169 = arith.constant 192 : i32
        %add3A_170 = arith.addi %multiple_of3A, %add3A_169 : i32
        %lt3A_171 = arith.cmpi slt, %shift_right_arithmetic3A_24, %add3A_170 : i32
        %and3A_172 = arith.andi %ge3A_168, %lt3A_171 : i1
        %and3A_173 = arith.andi %eq3A_30, %and3A_172 : i1
        %broadcast_in_dim3A_174 = arith.constant 0 : i32
        %broadcast_in_dim3A_175 = vector.broadcast %broadcast_in_dim3A_174 : i32 to vector<16xi32>
        %get3A_176 = arith.index_cast %min3A_159 : i32 to index
        %get3A_177 = arith.constant 0 : index
        %get3A_178 = tpu.vector_load %arg6[%get3A_176, %get3A_177] {strides = array<i32>} : memref<192x128xi32, #tpu.memory_space<vmem>>, vector<1x16xi32>,
        %get3A_179 = vector.shape_cast %get3A_178 : vector<1x16xi32> to vector<16xi32>
        %and3A_180 = arith.constant -65536 : i32
        %and3A_181 = vector.broadcast %and3A_180 : i32 to vector<16xi32>
        %and3A_182 = arith.andi %get3A_179, %and3A_181 : vector<16xi32>
        %select_n3A = arith.select %and3A_162, %and3A_182, %broadcast_in_dim3A_175 : vector<16xi32>
        %max3A_183 = arith.maxsi %while3A_155#0, %select_n3A : vector<16xi32>
        %get3A_184 = arith.index_cast %min3A_167 : i32 to index
        %get3A_185 = arith.constant 0 : index
        %get3A_186 = tpu.vector_load %arg6[%get3A_184, %get3A_185] {strides = array<i32>} : memref<192x128xi32, #tpu.memory_space<vmem>>, vector<1x16xi32>,
        %get3A_187 = vector.shape_cast %get3A_186 : vector<1x16xi32> to vector<16xi32>
        %and3A_188 = arith.constant 65535 : i32
        %and3A_189 = vector.broadcast %and3A_188 : i32 to vector<16xi32>
        %and3A_190 = arith.andi %get3A_187, %and3A_189 : vector<16xi32>
        %select_n3A_191 = arith.select %and3A_173, %and3A_190, %broadcast_in_dim3A_175 : vector<16xi32>
        %max3A_192 = arith.maxsi %while3A_155#8, %select_n3A_191 : vector<16xi32>
        %get3A_193 = arith.index_cast %min3A_159 : i32 to index
        %get3A_194 = arith.constant 16 : index
        %get3A_195 = tpu.vector_load %arg6[%get3A_193, %get3A_194] {strides = array<i32>} : memref<192x128xi32, #tpu.memory_space<vmem>>, vector<1x16xi32>,
        %get3A_196 = vector.shape_cast %get3A_195 : vector<1x16xi32> to vector<16xi32>
        %and3A_197 = arith.constant -65536 : i32
        %and3A_198 = vector.broadcast %and3A_197 : i32 to vector<16xi32>
        %and3A_199 = arith.andi %get3A_196, %and3A_198 : vector<16xi32>
        %select_n3A_200 = arith.select %and3A_162, %and3A_199, %broadcast_in_dim3A_175 : vector<16xi32>
        %max3A_201 = arith.maxsi %while3A_155#1, %select_n3A_200 : vector<16xi32>
        %get3A_202 = arith.index_cast %min3A_167 : i32 to index
        %get3A_203 = arith.constant 16 : index
        %get3A_204 = tpu.vector_load %arg6[%get3A_202, %get3A_203] {strides = array<i32>} : memref<192x128xi32, #tpu.memory_space<vmem>>, vector<1x16xi32>,
        %get3A_205 = vector.shape_cast %get3A_204 : vector<1x16xi32> to vector<16xi32>
        %and3A_206 = arith.constant 65535 : i32
        %and3A_207 = vector.broadcast %and3A_206 : i32 to vector<16xi32>
        %and3A_208 = arith.andi %get3A_205, %and3A_207 : vector<16xi32>
        %select_n3A_209 = arith.select %and3A_173, %and3A_208, %broadcast_in_dim3A_175 : vector<16xi32>
        %max3A_210 = arith.maxsi %while3A_155#9, %select_n3A_209 : vector<16xi32>
        %get3A_211 = arith.index_cast %min3A_159 : i32 to index
        %get3A_212 = arith.constant 32 : index
        %get3A_213 = tpu.vector_load %arg6[%get3A_211, %get3A_212] {strides = array<i32>} : memref<192x128xi32, #tpu.memory_space<vmem>>, vector<1x16xi32>,
        %get3A_214 = vector.shape_cast %get3A_213 : vector<1x16xi32> to vector<16xi32>
        %and3A_215 = arith.constant -65536 : i32
        %and3A_216 = vector.broadcast %and3A_215 : i32 to vector<16xi32>
        %and3A_217 = arith.andi %get3A_214, %and3A_216 : vector<16xi32>
        %select_n3A_218 = arith.select %and3A_162, %and3A_217, %broadcast_in_dim3A_175 : vector<16xi32>
        %max3A_219 = arith.maxsi %while3A_155#2, %select_n3A_218 : vector<16xi32>
        %get3A_220 = arith.index_cast %min3A_167 : i32 to index
        %get3A_221 = arith.constant 32 : index
        %get3A_222 = tpu.vector_load %arg6[%get3A_220, %get3A_221] {strides = array<i32>} : memref<192x128xi32, #tpu.memory_space<vmem>>, vector<1x16xi32>,
        %get3A_223 = vector.shape_cast %get3A_222 : vector<1x16xi32> to vector<16xi32>
        %and3A_224 = arith.constant 65535 : i32
        %and3A_225 = vector.broadcast %and3A_224 : i32 to vector<16xi32>
        %and3A_226 = arith.andi %get3A_223, %and3A_225 : vector<16xi32>
        %select_n3A_227 = arith.select %and3A_173, %and3A_226, %broadcast_in_dim3A_175 : vector<16xi32>
        %max3A_228 = arith.maxsi %while3A_155#10, %select_n3A_227 : vector<16xi32>
        %get3A_229 = arith.index_cast %min3A_159 : i32 to index
        %get3A_230 = arith.constant 48 : index
        %get3A_231 = tpu.vector_load %arg6[%get3A_229, %get3A_230] {strides = array<i32>} : memref<192x128xi32, #tpu.memory_space<vmem>>, vector<1x16xi32>,
        %get3A_232 = vector.shape_cast %get3A_231 : vector<1x16xi32> to vector<16xi32>
        %and3A_233 = arith.constant -65536 : i32
        %and3A_234 = vector.broadcast %and3A_233 : i32 to vector<16xi32>
        %and3A_235 = arith.andi %get3A_232, %and3A_234 : vector<16xi32>
        %select_n3A_236 = arith.select %and3A_162, %and3A_235, %broadcast_in_dim3A_175 : vector<16xi32>
        %max3A_237 = arith.maxsi %while3A_155#3, %select_n3A_236 : vector<16xi32>
        %get3A_238 = arith.index_cast %min3A_167 : i32 to index
        %get3A_239 = arith.constant 48 : index
        %get3A_240 = tpu.vector_load %arg6[%get3A_238, %get3A_239] {strides = array<i32>} : memref<192x128xi32, #tpu.memory_space<vmem>>, vector<1x16xi32>,
        %get3A_241 = vector.shape_cast %get3A_240 : vector<1x16xi32> to vector<16xi32>
        %and3A_242 = arith.constant 65535 : i32
        %and3A_243 = vector.broadcast %and3A_242 : i32 to vector<16xi32>
        %and3A_244 = arith.andi %get3A_241, %and3A_243 : vector<16xi32>
        %select_n3A_245 = arith.select %and3A_173, %and3A_244, %broadcast_in_dim3A_175 : vector<16xi32>
        %max3A_246 = arith.maxsi %while3A_155#11, %select_n3A_245 : vector<16xi32>
        %get3A_247 = arith.index_cast %min3A_159 : i32 to index
        %get3A_248 = arith.constant 64 : index
        %get3A_249 = tpu.vector_load %arg6[%get3A_247, %get3A_248] {strides = array<i32>} : memref<192x128xi32, #tpu.memory_space<vmem>>, vector<1x16xi32>,
        %get3A_250 = vector.shape_cast %get3A_249 : vector<1x16xi32> to vector<16xi32>
        %and3A_251 = arith.constant -65536 : i32
        %and3A_252 = vector.broadcast %and3A_251 : i32 to vector<16xi32>
        %and3A_253 = arith.andi %get3A_250, %and3A_252 : vector<16xi32>
        %select_n3A_254 = arith.select %and3A_162, %and3A_253, %broadcast_in_dim3A_175 : vector<16xi32>
        %max3A_255 = arith.maxsi %while3A_155#4, %select_n3A_254 : vector<16xi32>
        %get3A_256 = arith.index_cast %min3A_167 : i32 to index
        %get3A_257 = arith.constant 64 : index
        %get3A_258 = tpu.vector_load %arg6[%get3A_256, %get3A_257] {strides = array<i32>} : memref<192x128xi32, #tpu.memory_space<vmem>>, vector<1x16xi32>,
        %get3A_259 = vector.shape_cast %get3A_258 : vector<1x16xi32> to vector<16xi32>
        %and3A_260 = arith.constant 65535 : i32
        %and3A_261 = vector.broadcast %and3A_260 : i32 to vector<16xi32>
        %and3A_262 = arith.andi %get3A_259, %and3A_261 : vector<16xi32>
        %select_n3A_263 = arith.select %and3A_173, %and3A_262, %broadcast_in_dim3A_175 : vector<16xi32>
        %max3A_264 = arith.maxsi %while3A_155#12, %select_n3A_263 : vector<16xi32>
        %get3A_265 = arith.index_cast %min3A_159 : i32 to index
        %get3A_266 = arith.constant 80 : index
        %get3A_267 = tpu.vector_load %arg6[%get3A_265, %get3A_266] {strides = array<i32>} : memref<192x128xi32, #tpu.memory_space<vmem>>, vector<1x16xi32>,
        %get3A_268 = vector.shape_cast %get3A_267 : vector<1x16xi32> to vector<16xi32>
        %and3A_269 = arith.constant -65536 : i32
        %and3A_270 = vector.broadcast %and3A_269 : i32 to vector<16xi32>
        %and3A_271 = arith.andi %get3A_268, %and3A_270 : vector<16xi32>
        %select_n3A_272 = arith.select %and3A_162, %and3A_271, %broadcast_in_dim3A_175 : vector<16xi32>
        %max3A_273 = arith.maxsi %while3A_155#5, %select_n3A_272 : vector<16xi32>
        %get3A_274 = arith.index_cast %min3A_167 : i32 to index
        %get3A_275 = arith.constant 80 : index
        %get3A_276 = tpu.vector_load %arg6[%get3A_274, %get3A_275] {strides = array<i32>} : memref<192x128xi32, #tpu.memory_space<vmem>>, vector<1x16xi32>,
        %get3A_277 = vector.shape_cast %get3A_276 : vector<1x16xi32> to vector<16xi32>
        %and3A_278 = arith.constant 65535 : i32
        %and3A_279 = vector.broadcast %and3A_278 : i32 to vector<16xi32>
        %and3A_280 = arith.andi %get3A_277, %and3A_279 : vector<16xi32>
        %select_n3A_281 = arith.select %and3A_173, %and3A_280, %broadcast_in_dim3A_175 : vector<16xi32>
        %max3A_282 = arith.maxsi %while3A_155#13, %select_n3A_281 : vector<16xi32>
        %get3A_283 = arith.index_cast %min3A_159 : i32 to index
        %get3A_284 = arith.constant 96 : index
        %get3A_285 = tpu.vector_load %arg6[%get3A_283, %get3A_284] {strides = array<i32>} : memref<192x128xi32, #tpu.memory_space<vmem>>, vector<1x16xi32>,
        %get3A_286 = vector.shape_cast %get3A_285 : vector<1x16xi32> to vector<16xi32>
        %and3A_287 = arith.constant -65536 : i32
        %and3A_288 = vector.broadcast %and3A_287 : i32 to vector<16xi32>
        %and3A_289 = arith.andi %get3A_286, %and3A_288 : vector<16xi32>
        %select_n3A_290 = arith.select %and3A_162, %and3A_289, %broadcast_in_dim3A_175 : vector<16xi32>
        %max3A_291 = arith.maxsi %while3A_155#6, %select_n3A_290 : vector<16xi32>
        %get3A_292 = arith.index_cast %min3A_167 : i32 to index
        %get3A_293 = arith.constant 96 : index
        %get3A_294 = tpu.vector_load %arg6[%get3A_292, %get3A_293] {strides = array<i32>} : memref<192x128xi32, #tpu.memory_space<vmem>>, vector<1x16xi32>,
        %get3A_295 = vector.shape_cast %get3A_294 : vector<1x16xi32> to vector<16xi32>
        %and3A_296 = arith.constant 65535 : i32
        %and3A_297 = vector.broadcast %and3A_296 : i32 to vector<16xi32>
        %and3A_298 = arith.andi %get3A_295, %and3A_297 : vector<16xi32>
        %select_n3A_299 = arith.select %and3A_173, %and3A_298, %broadcast_in_dim3A_175 : vector<16xi32>
        %max3A_300 = arith.maxsi %while3A_155#14, %select_n3A_299 : vector<16xi32>
        %get3A_301 = arith.index_cast %min3A_159 : i32 to index
        %get3A_302 = arith.constant 112 : index
        %get3A_303 = tpu.vector_load %arg6[%get3A_301, %get3A_302] {strides = array<i32>} : memref<192x128xi32, #tpu.memory_space<vmem>>, vector<1x16xi32>,
        %get3A_304 = vector.shape_cast %get3A_303 : vector<1x16xi32> to vector<16xi32>
        %and3A_305 = arith.constant -65536 : i32
        %and3A_306 = vector.broadcast %and3A_305 : i32 to vector<16xi32>
        %and3A_307 = arith.andi %get3A_304, %and3A_306 : vector<16xi32>
        %select_n3A_308 = arith.select %and3A_162, %and3A_307, %broadcast_in_dim3A_175 : vector<16xi32>
        %max3A_309 = arith.maxsi %while3A_155#7, %select_n3A_308 : vector<16xi32>
        %get3A_310 = arith.index_cast %min3A_167 : i32 to index
        %get3A_311 = arith.constant 112 : index
        %get3A_312 = tpu.vector_load %arg6[%get3A_310, %get3A_311] {strides = array<i32>} : memref<192x128xi32, #tpu.memory_space<vmem>>, vector<1x16xi32>,
        %get3A_313 = vector.shape_cast %get3A_312 : vector<1x16xi32> to vector<16xi32>
        %and3A_314 = arith.constant 65535 : i32
        %and3A_315 = vector.broadcast %and3A_314 : i32 to vector<16xi32>
        %and3A_316 = arith.andi %get3A_313, %and3A_315 : vector<16xi32>
        %select_n3A_317 = arith.select %and3A_173, %and3A_316, %broadcast_in_dim3A_175 : vector<16xi32>
        %max3A_318 = arith.maxsi %while3A_155#15, %select_n3A_317 : vector<16xi32>
        scf.yield %max3A_183, %max3A_201, %max3A_219, %max3A_237, %max3A_255, %max3A_273, %max3A_291, %max3A_309, %max3A_192, %max3A_210, %max3A_228, %max3A_246, %max3A_264, %max3A_282, %max3A_300, %max3A_318 : vector<16xi32>, vector<16xi32>, vector<16xi32>, vector<16xi32>, vector<16xi32>, vector<16xi32>, vector<16xi32>, vector<16xi32>, vector<16xi32>, vector<16xi32>, vector<16xi32>, vector<16xi32>, vector<16xi32>, vector<16xi32>, vector<16xi32>, vector<16xi32>
      }
      %shift_right_arithmetic3A_50 = arith.constant 16 : i32
      %shift_right_arithmetic3A_51 = vector.broadcast %shift_right_arithmetic3A_50 : i32 to vector<16xi32>
      %shift_right_arithmetic3A_52 = arith.shrsi %while3A_49#0, %shift_right_arithmetic3A_51 : vector<16xi32>
      %max3A = arith.maxsi %shift_right_arithmetic3A_52, %while3A_49#8 : vector<16xi32>
      %swap3A = arith.index_cast %scan3A_9 : i32 to index
      %swap3A_53 = arith.constant 0 : index
      %swap3A_54 = tpu.vector_load %arg7[%swap3A, %swap3A_53] {strides = array<i32>} : memref<32x128xi32, #tpu.memory_space<vmem>>, vector<1x16xi32>,
      %swap3A_55 = vector.shape_cast %swap3A_54 : vector<1x16xi32> to vector<16xi32>
      %swap3A_56 = vector.shape_cast %max3A : vector<16xi32> to vector<1x16xi32>
      tpu.vector_store %arg7[%swap3A, %swap3A_53], %swap3A_56 {strides = array<i32>} : memref<32x128xi32, #tpu.memory_space<vmem>>, vector<1x16xi32>,
      %shift_right_arithmetic3A_57 = arith.constant 16 : i32
      %shift_right_arithmetic3A_58 = vector.broadcast %shift_right_arithmetic3A_57 : i32 to vector<16xi32>
      %shift_right_arithmetic3A_59 = arith.shrsi %while3A_49#1, %shift_right_arithmetic3A_58 : vector<16xi32>
      %max3A_60 = arith.maxsi %shift_right_arithmetic3A_59, %while3A_49#9 : vector<16xi32>
      %swap3A_61 = arith.index_cast %scan3A_9 : i32 to index
      %swap3A_62 = arith.constant 16 : index
      %swap3A_63 = tpu.vector_load %arg7[%swap3A_61, %swap3A_62] {strides = array<i32>} : memref<32x128xi32, #tpu.memory_space<vmem>>, vector<1x16xi32>,
      %swap3A_64 = vector.shape_cast %swap3A_63 : vector<1x16xi32> to vector<16xi32>
      %swap3A_65 = vector.shape_cast %max3A_60 : vector<16xi32> to vector<1x16xi32>
      tpu.vector_store %arg7[%swap3A_61, %swap3A_62], %swap3A_65 {strides = array<i32>} : memref<32x128xi32, #tpu.memory_space<vmem>>, vector<1x16xi32>,
      %shift_right_arithmetic3A_66 = arith.constant 16 : i32
      %shift_right_arithmetic3A_67 = vector.broadcast %shift_right_arithmetic3A_66 : i32 to vector<16xi32>
      %shift_right_arithmetic3A_68 = arith.shrsi %while3A_49#2, %shift_right_arithmetic3A_67 : vector<16xi32>
      %max3A_69 = arith.maxsi %shift_right_arithmetic3A_68, %while3A_49#10 : vector<16xi32>
      %swap3A_70 = arith.index_cast %scan3A_9 : i32 to index
      %swap3A_71 = arith.constant 32 : index
      %swap3A_72 = tpu.vector_load %arg7[%swap3A_70, %swap3A_71] {strides = array<i32>} : memref<32x128xi32, #tpu.memory_space<vmem>>, vector<1x16xi32>,
      %swap3A_73 = vector.shape_cast %swap3A_72 : vector<1x16xi32> to vector<16xi32>
      %swap3A_74 = vector.shape_cast %max3A_69 : vector<16xi32> to vector<1x16xi32>
      tpu.vector_store %arg7[%swap3A_70, %swap3A_71], %swap3A_74 {strides = array<i32>} : memref<32x128xi32, #tpu.memory_space<vmem>>, vector<1x16xi32>,
      %shift_right_arithmetic3A_75 = arith.constant 16 : i32
      %shift_right_arithmetic3A_76 = vector.broadcast %shift_right_arithmetic3A_75 : i32 to vector<16xi32>
      %shift_right_arithmetic3A_77 = arith.shrsi %while3A_49#3, %shift_right_arithmetic3A_76 : vector<16xi32>
      %max3A_78 = arith.maxsi %shift_right_arithmetic3A_77, %while3A_49#11 : vector<16xi32>
      %swap3A_79 = arith.index_cast %scan3A_9 : i32 to index
      %swap3A_80 = arith.constant 48 : index
      %swap3A_81 = tpu.vector_load %arg7[%swap3A_79, %swap3A_80] {strides = array<i32>} : memref<32x128xi32, #tpu.memory_space<vmem>>, vector<1x16xi32>,
      %swap3A_82 = vector.shape_cast %swap3A_81 : vector<1x16xi32> to vector<16xi32>
      %swap3A_83 = vector.shape_cast %max3A_78 : vector<16xi32> to vector<1x16xi32>
      tpu.vector_store %arg7[%swap3A_79, %swap3A_80], %swap3A_83 {strides = array<i32>} : memref<32x128xi32, #tpu.memory_space<vmem>>, vector<1x16xi32>,
      %shift_right_arithmetic3A_84 = arith.constant 16 : i32
      %shift_right_arithmetic3A_85 = vector.broadcast %shift_right_arithmetic3A_84 : i32 to vector<16xi32>
      %shift_right_arithmetic3A_86 = arith.shrsi %while3A_49#4, %shift_right_arithmetic3A_85 : vector<16xi32>
      %max3A_87 = arith.maxsi %shift_right_arithmetic3A_86, %while3A_49#12 : vector<16xi32>
      %swap3A_88 = arith.index_cast %scan3A_9 : i32 to index
      %swap3A_89 = arith.constant 64 : index
      %swap3A_90 = tpu.vector_load %arg7[%swap3A_88, %swap3A_89] {strides = array<i32>} : memref<32x128xi32, #tpu.memory_space<vmem>>, vector<1x16xi32>,
      %swap3A_91 = vector.shape_cast %swap3A_90 : vector<1x16xi32> to vector<16xi32>
      %swap3A_92 = vector.shape_cast %max3A_87 : vector<16xi32> to vector<1x16xi32>
      tpu.vector_store %arg7[%swap3A_88, %swap3A_89], %swap3A_92 {strides = array<i32>} : memref<32x128xi32, #tpu.memory_space<vmem>>, vector<1x16xi32>,
      %shift_right_arithmetic3A_93 = arith.constant 16 : i32
      %shift_right_arithmetic3A_94 = vector.broadcast %shift_right_arithmetic3A_93 : i32 to vector<16xi32>
      %shift_right_arithmetic3A_95 = arith.shrsi %while3A_49#5, %shift_right_arithmetic3A_94 : vector<16xi32>
      %max3A_96 = arith.maxsi %shift_right_arithmetic3A_95, %while3A_49#13 : vector<16xi32>
      %swap3A_97 = arith.index_cast %scan3A_9 : i32 to index
      %swap3A_98 = arith.constant 80 : index
      %swap3A_99 = tpu.vector_load %arg7[%swap3A_97, %swap3A_98] {strides = array<i32>} : memref<32x128xi32, #tpu.memory_space<vmem>>, vector<1x16xi32>,
      %swap3A_100 = vector.shape_cast %swap3A_99 : vector<1x16xi32> to vector<16xi32>
      %swap3A_101 = vector.shape_cast %max3A_96 : vector<16xi32> to vector<1x16xi32>
      tpu.vector_store %arg7[%swap3A_97, %swap3A_98], %swap3A_101 {strides = array<i32>} : memref<32x128xi32, #tpu.memory_space<vmem>>, vector<1x16xi32>,
      %shift_right_arithmetic3A_102 = arith.constant 16 : i32
      %shift_right_arithmetic3A_103 = vector.broadcast %shift_right_arithmetic3A_102 : i32 to vector<16xi32>
      %shift_right_arithmetic3A_104 = arith.shrsi %while3A_49#6, %shift_right_arithmetic3A_103 : vector<16xi32>
      %max3A_105 = arith.maxsi %shift_right_arithmetic3A_104, %while3A_49#14 : vector<16xi32>
      %swap3A_106 = arith.index_cast %scan3A_9 : i32 to index
      %swap3A_107 = arith.constant 96 : index
      %swap3A_108 = tpu.vector_load %arg7[%swap3A_106, %swap3A_107] {strides = array<i32>} : memref<32x128xi32, #tpu.memory_space<vmem>>, vector<1x16xi32>,
      %swap3A_109 = vector.shape_cast %swap3A_108 : vector<1x16xi32> to vector<16xi32>
      %swap3A_110 = vector.shape_cast %max3A_105 : vector<16xi32> to vector<1x16xi32>
      tpu.vector_store %arg7[%swap3A_106, %swap3A_107], %swap3A_110 {strides = array<i32>} : memref<32x128xi32, #tpu.memory_space<vmem>>, vector<1x16xi32>,
      %shift_right_arithmetic3A_111 = arith.constant 16 : i32
      %shift_right_arithmetic3A_112 = vector.broadcast %shift_right_arithmetic3A_111 : i32 to vector<16xi32>
      %shift_right_arithmetic3A_113 = arith.shrsi %while3A_49#7, %shift_right_arithmetic3A_112 : vector<16xi32>
      %max3A_114 = arith.maxsi %shift_right_arithmetic3A_113, %while3A_49#15 : vector<16xi32>
      %swap3A_115 = arith.index_cast %scan3A_9 : i32 to index
      %swap3A_116 = arith.constant 112 : index
      %swap3A_117 = tpu.vector_load %arg7[%swap3A_115, %swap3A_116] {strides = array<i32>} : memref<32x128xi32, #tpu.memory_space<vmem>>, vector<1x16xi32>,
      %swap3A_118 = vector.shape_cast %swap3A_117 : vector<1x16xi32> to vector<16xi32>
      %swap3A_119 = vector.shape_cast %max3A_114 : vector<16xi32> to vector<1x16xi32>
      tpu.vector_store %arg7[%swap3A_115, %swap3A_116], %swap3A_119 {strides = array<i32>} : memref<32x128xi32, #tpu.memory_space<vmem>>, vector<1x16xi32>,
      %scan3A_120 = arith.constant 0 : i32
      scf.yield %scan3A_120 : i32
    }
    %scan3A_8 = arith.constant 32 : i32
    "tpu.region"() ({
      %run_scoped3A = tpu.sem_alloc : memref<!tpu.dma_semaphore, #tpu.memory_space<semaphore_mem>>
      %dma_start3A = arith.constant 0 : i32
      %dma_start3A_9 = tpu.memref_slice %arg4[%mul3A_2, %dma_start3A] : memref<1024x128xi32, #tpu.memory_space<hbm>> -> memref<32x128xi32, #tpu.memory_space<hbm>>
      %dma_start3A_10 = arith.constant 0 : i32
      %dma_start3A_11 = tpu.memref_slice %arg4[%mul3A_2, %dma_start3A_10] : memref<1024x128xi32, #tpu.memory_space<hbm>> -> memref<32x128xi32, #tpu.memory_space<hbm>>
      tpu.enqueue_dma source(%arg7 : memref<32x128xi32, #tpu.memory_space<vmem>>) target(%dma_start3A_11 : memref<32x128xi32, #tpu.memory_space<hbm>>) target_semaphore(%run_scoped3A : memref<!tpu.dma_semaphore, #tpu.memory_space<semaphore_mem>>)
      %dma_wait3A = arith.constant 0 : i32
      %dma_wait3A_12 = tpu.memref_slice %arg4[%mul3A_2, %dma_wait3A] : memref<1024x128xi32, #tpu.memory_space<hbm>> -> memref<32x128xi32, #tpu.memory_space<hbm>>
      %dma_wait3A_13 = arith.constant 0 : i32
      %dma_wait3A_14 = tpu.memref_slice %arg4[%mul3A_2, %dma_wait3A_13] : memref<1024x128xi32, #tpu.memory_space<hbm>> -> memref<32x128xi32, #tpu.memory_space<hbm>>
      tpu.wait_dma2 semaphore(%run_scoped3A : memref<!tpu.dma_semaphore, #tpu.memory_space<semaphore_mem>>) src(%arg7 : memref<32x128xi32, #tpu.memory_space<vmem>>) dst(%dma_wait3A_14 : memref<32x128xi32, #tpu.memory_space<hbm>>)
      tpu.yield
    }) : () -> ()
    return
  }
}

module attributes {stable_mosaic.version = 14 : i64} {
  func.func @_mlp_body(%arg0: i32, %arg1: memref<4096x128xf32, #tpu.memory_space<vmem>>, %arg2: memref<1x32x128xi32, #tpu.memory_space<vmem>>, %arg3: memref<128x128xf32, #tpu.memory_space<vmem>>, %arg4: memref<1x128xf32, #tpu.memory_space<vmem>>, %arg5: memref<128x128xf32, #tpu.memory_space<vmem>>, %arg6: memref<1x128xf32, #tpu.memory_space<vmem>>, %arg7: memref<4096x128xbf16, #tpu.memory_space<vmem>>, %arg8: memref<1040x1xi32, #tpu.memory_space<vmem>>, %arg9: memref<1xi32, #tpu.memory_space<smem>>) attributes {dimension_semantics = [#tpu.dimension_semantics<arbitrary>], iteration_bounds = array<i64: 79>, scalar_prefetch = 0 : i64, scratch_operands = 1 : i64, tpu.core_type = #tpu.core_type<tc>, window_params = [{transform_indices = @transform_0, window_bounds = array<i64: 4096, 128>}, {transform_indices = @transform_1, window_bounds = array<i64: 1, 32, 128>}, {pipeline_mode = #tpu.pipeline_mode<synchronous>, transform_indices = @transform_2, window_bounds = array<i64: 128, 128>}, {pipeline_mode = #tpu.pipeline_mode<synchronous>, transform_indices = @transform_3, window_bounds = array<i64: 1, 128>}, {pipeline_mode = #tpu.pipeline_mode<synchronous>, transform_indices = @transform_4, window_bounds = array<i64: 128, 128>}, {pipeline_mode = #tpu.pipeline_mode<synchronous>, transform_indices = @transform_5, window_bounds = array<i64: 1, 128>}, {transform_indices = @transform_6, window_bounds = array<i64: 4096, 128>}, {pipeline_mode = #tpu.pipeline_mode<synchronous>, transform_indices = @transform_7, window_bounds = array<i64: 1040, 1>}]} {
    %get3A = arith.constant 0 : index
    %get3A_0 = arith.constant 0 : index
    %get3A_1 = vector.load %arg1[%get3A, %get3A_0] : memref<4096x128xf32, #tpu.memory_space<vmem>>, vector<4096x128xf32>
    %convert_element_type3A = arith.truncf %get3A_1 : vector<4096x128xf32> to vector<4096x128xbf16>
    %get3A_2 = arith.constant 0 : index
    %get3A_3 = arith.constant 0 : index
    %get3A_4 = vector.load %arg3[%get3A_2, %get3A_3] : memref<128x128xf32, #tpu.memory_space<vmem>>, vector<128x128xf32>
    %convert_element_type3A_5 = arith.truncf %get3A_4 : vector<128x128xf32> to vector<128x128xbf16>
    %get3A_6 = arith.constant 0 : index
    %get3A_7 = arith.constant 0 : index
    %get3A_8 = vector.load %arg5[%get3A_6, %get3A_7] : memref<128x128xf32, #tpu.memory_space<vmem>>, vector<128x128xf32>
    %convert_element_type3A_9 = arith.truncf %get3A_8 : vector<128x128xf32> to vector<128x128xbf16>
    %dot_general3A = arith.constant dense<0.000000e+00> : vector<4096x128xf32>
    %dot_general3A_10 = tpu.matmul %convert_element_type3A, %convert_element_type3A_5, %dot_general3A {dimension_numbers = #tpu.dot_dimension_numbers<[1], [0], [0], [1], [0, 0, 1, 1], [], []>, transpose_lhs_hint = false} : vector<4096x128xbf16>, vector<128x128xbf16>, vector<4096x128xf32> -> vector<4096x128xf32>
    %get3A_11 = arith.constant 0 : index
    %get3A_12 = arith.constant 0 : index
    %get3A_13 = vector.load %arg4[%get3A_11, %get3A_12] : memref<1x128xf32, #tpu.memory_space<vmem>>, vector<1x128xf32>
    %add3A = vector.broadcast %get3A_13 : vector<1x128xf32> to vector<4096x128xf32>
    %add3A_14 = arith.addf %dot_general3A_10, %add3A : vector<4096x128xf32>
    %max3A = arith.constant 0.000000e+00 : f32
    %max3A_15 = vector.broadcast %max3A : f32 to vector<4096x128xf32>
    %max3A_16 = arith.maximumf %add3A_14, %max3A_15 : vector<4096x128xf32>
    %convert_element_type3A_17 = arith.truncf %max3A_16 : vector<4096x128xf32> to vector<4096x128xbf16>
    %dot_general3A_18 = arith.constant dense<0.000000e+00> : vector<4096x128xf32>
    %dot_general3A_19 = tpu.matmul %convert_element_type3A_17, %convert_element_type3A_9, %dot_general3A_18 {dimension_numbers = #tpu.dot_dimension_numbers<[1], [0], [0], [1], [0, 0, 1, 1], [], []>, transpose_lhs_hint = false} : vector<4096x128xbf16>, vector<128x128xbf16>, vector<4096x128xf32> -> vector<4096x128xf32>
    %get3A_20 = arith.constant 0 : index
    %get3A_21 = arith.constant 0 : index
    %get3A_22 = vector.load %arg6[%get3A_20, %get3A_21] : memref<1x128xf32, #tpu.memory_space<vmem>>, vector<1x128xf32>
    %add3A_23 = vector.broadcast %get3A_22 : vector<1x128xf32> to vector<4096x128xf32>
    %add3A_24 = arith.addf %dot_general3A_19, %add3A_23 : vector<4096x128xf32>
    %max3A_25 = arith.constant 0.000000e+00 : f32
    %max3A_26 = vector.broadcast %max3A_25 : f32 to vector<4096x128xf32>
    %max3A_27 = arith.maximumf %add3A_24, %max3A_26 : vector<4096x128xf32>
    %convert_element_type3A_28 = arith.truncf %max3A_27 : vector<4096x128xf32> to vector<4096x128xbf16>
    %swap3A = arith.constant 0 : index
    %swap3A_29 = arith.constant 0 : index
    %swap3A_30 = vector.load %arg7[%swap3A, %swap3A_29] : memref<4096x128xbf16, #tpu.memory_space<vmem>>, vector<4096x128xbf16>
    tpu.vector_store %arg7[%swap3A, %swap3A_29], %convert_element_type3A_28 {strides = array<i32>} : memref<4096x128xbf16, #tpu.memory_space<vmem>>, vector<4096x128xbf16>,
    %eq3A = arith.constant 0 : i32
    %eq3A_31 = arith.cmpi eq, %arg0, %eq3A : i32
    %convert_element_type3A_32 = arith.extui %eq3A_31 : i1 to i32
    %cond3A = arith.constant 0 : i32
    %cond3A_33 = arith.cmpi ne, %convert_element_type3A_32, %cond3A : i32
    scf.if %cond3A_33 {
      %swap3A_65 = arith.constant -1 : i32
      %swap3A_66 = arith.constant 0 : index
      %swap3A_67 = memref.load %arg9[%swap3A_66] : memref<1xi32, #tpu.memory_space<smem>>
      memref.store %swap3A_65, %arg9[%swap3A_66] : memref<1xi32, #tpu.memory_space<smem>>
    } else {
    }
    %get3A_34 = arith.constant 0 : index
    %get3A_35 = arith.constant 0 : index
    %get3A_36 = arith.constant 0 : index
    %get3A_37 = vector.load %arg2[%get3A_34, %get3A_35, %get3A_36] : memref<1x32x128xi32, #tpu.memory_space<vmem>>, vector<1x32x128xi32>
    %get3A_38 = arith.constant 0 : index
    %get3A_39 = memref.load %arg9[%get3A_38] : memref<1xi32, #tpu.memory_space<smem>>
    %add3A_40 = arith.constant 1 : i32
    %add3A_41 = arith.addi %get3A_39, %add3A_40 : i32
    %get3A_42 = arith.constant 0 : index
    %get3A_43 = arith.constant 31 : index
    %get3A_44 = arith.constant 127 : index
    %get3A_45 = vector.load %arg2[%get3A_42, %get3A_43, %get3A_44] : memref<1x32x128xi32, #tpu.memory_space<vmem>>, vector<1x1x1xi32>
    %get3A_46 = vector.extract %get3A_45[0, 0, 0] : i32 from vector<1x1x1xi32>
    %mul3A = arith.constant 4096 : i32
    %mul3A_47 = arith.muli %arg0, %mul3A : i32
    %add3A_48 = arith.constant 1 : i32
    %add3A_49 = arith.addi %get3A_46, %add3A_48 : i32
    %while3A = arith.constant 0 : i32
    %while3A_50 = arith.subi %add3A_49, %add3A_41 : i32
    %while3A_51 = arith.addi %add3A_41, %while3A_50 : i32
    %while3A_52 = arith.constant 1 : i32
    %while3A_53 = arith.divsi %while3A_50, %while3A_52 : i32
    %while3A_54 = arith.muli %while3A_53, %while3A_52 : i32
    %while3A_55 = arith.addi %add3A_41, %while3A_54 : i32
    %while3A_56 = arith.constant 1 : i32
    scf.for %while3A_65 = %add3A_41 to %while3A_55 step %while3A_56  : i32 {
      %lt3A = vector.broadcast %while3A_65 : i32 to vector<1x32x128xi32>
      %lt3A_66 = arith.cmpi slt, %get3A_37, %lt3A : vector<1x32x128xi32>
      %convert_element_type3A_67 = arith.extui %lt3A_66 : vector<1x32x128xi1> to vector<1x32x128xi32>
      %reduce_sum3A = vector.shape_cast %convert_element_type3A_67 : vector<1x32x128xi32> to vector<1x1x32x128xi32>
      %reduce_sum3A_68 = arith.constant dense<0> : vector<1xi32>
      %reduce_sum3A_69 = vector.multi_reduction <add>, %reduce_sum3A, %reduce_sum3A_68 [1, 2, 3] : vector<1x1x32x128xi32> to vector<1xi32>
      %reduce_sum3A_70 = vector.shape_cast %reduce_sum3A_69 : vector<1xi32> to vector<1x1x1x1xi32>
      %reduce_sum3A_71 = vector.extract %reduce_sum3A_70[0, 0, 0, 0] : i32 from vector<1x1x1x1xi32>
      %add3A_72 = arith.addi %mul3A_47, %reduce_sum3A_71 : i32
      %broadcast_in_dim3A = vector.broadcast %add3A_72 : i32 to vector<1x1xi32>
      %swap3A_73 = arith.index_cast %while3A_65 : i32 to index
      %swap3A_74 = arith.constant 0 : index
      %swap3A_75 = vector.load %arg8[%swap3A_73, %swap3A_74] : memref<1040x1xi32, #tpu.memory_space<vmem>>, vector<1x1xi32>
      tpu.vector_store %arg8[%swap3A_73, %swap3A_74], %broadcast_in_dim3A {strides = array<i32>} : memref<1040x1xi32, #tpu.memory_space<vmem>>, vector<1x1xi32>,
    }
    %while3A_57 = arith.constant 1 : i32
    scf.for %while3A_65 = %while3A_55 to %while3A_51 step %while3A_57  : i32 {
      %lt3A = vector.broadcast %while3A_65 : i32 to vector<1x32x128xi32>
      %lt3A_66 = arith.cmpi slt, %get3A_37, %lt3A : vector<1x32x128xi32>
      %convert_element_type3A_67 = arith.extui %lt3A_66 : vector<1x32x128xi1> to vector<1x32x128xi32>
      %reduce_sum3A = vector.shape_cast %convert_element_type3A_67 : vector<1x32x128xi32> to vector<1x1x32x128xi32>
      %reduce_sum3A_68 = arith.constant dense<0> : vector<1xi32>
      %reduce_sum3A_69 = vector.multi_reduction <add>, %reduce_sum3A, %reduce_sum3A_68 [1, 2, 3] : vector<1x1x32x128xi32> to vector<1xi32>
      %reduce_sum3A_70 = vector.shape_cast %reduce_sum3A_69 : vector<1xi32> to vector<1x1x1x1xi32>
      %reduce_sum3A_71 = vector.extract %reduce_sum3A_70[0, 0, 0, 0] : i32 from vector<1x1x1x1xi32>
      %add3A_72 = arith.addi %mul3A_47, %reduce_sum3A_71 : i32
      %broadcast_in_dim3A = vector.broadcast %add3A_72 : i32 to vector<1x1xi32>
      %swap3A_73 = arith.index_cast %while3A_65 : i32 to index
      %swap3A_74 = arith.constant 0 : index
      %swap3A_75 = vector.load %arg8[%swap3A_73, %swap3A_74] : memref<1040x1xi32, #tpu.memory_space<vmem>>, vector<1x1xi32>
      tpu.vector_store %arg8[%swap3A_73, %swap3A_74], %broadcast_in_dim3A {strides = array<i32>} : memref<1040x1xi32, #tpu.memory_space<vmem>>, vector<1x1xi32>,
    }
    %swap3A_58 = arith.constant 0 : index
    %swap3A_59 = memref.load %arg9[%swap3A_58] : memref<1xi32, #tpu.memory_space<smem>>
    memref.store %get3A_46, %arg9[%swap3A_58] : memref<1xi32, #tpu.memory_space<smem>>
    %eq3A_60 = arith.constant 78 : i32
    %eq3A_61 = arith.cmpi eq, %arg0, %eq3A_60 : i32
    %convert_element_type3A_62 = arith.extui %eq3A_61 : i1 to i32
    %cond3A_63 = arith.constant 0 : i32
    %cond3A_64 = arith.cmpi ne, %convert_element_type3A_62, %cond3A_63 : i32
    scf.if %cond3A_64 {
      %add3A_65 = arith.constant 1 : i32
      %add3A_66 = arith.addi %get3A_46, %add3A_65 : i32
      %while3A_67 = arith.constant 0 : i32
      %while3A_68 = arith.constant 1025 : i32
      %while3A_69 = arith.subi %while3A_68, %add3A_66 : i32
      %while3A_70 = arith.addi %add3A_66, %while3A_69 : i32
      %while3A_71 = arith.constant 1 : i32
      %while3A_72 = arith.divsi %while3A_69, %while3A_71 : i32
      %while3A_73 = arith.muli %while3A_72, %while3A_71 : i32
      %while3A_74 = arith.addi %add3A_66, %while3A_73 : i32
      %while3A_75 = arith.constant 1 : i32
      scf.for %while3A_77 = %add3A_66 to %while3A_74 step %while3A_75  : i32 {
        %broadcast_in_dim3A = arith.constant 320000 : i32
        %broadcast_in_dim3A_78 = vector.broadcast %broadcast_in_dim3A : i32 to vector<1x1xi32>
        %swap3A_79 = arith.index_cast %while3A_77 : i32 to index
        %swap3A_80 = arith.constant 0 : index
        %swap3A_81 = vector.load %arg8[%swap3A_79, %swap3A_80] : memref<1040x1xi32, #tpu.memory_space<vmem>>, vector<1x1xi32>
        tpu.vector_store %arg8[%swap3A_79, %swap3A_80], %broadcast_in_dim3A_78 {strides = array<i32>} : memref<1040x1xi32, #tpu.memory_space<vmem>>, vector<1x1xi32>,
      }
      %while3A_76 = arith.constant 1 : i32
      scf.for %while3A_77 = %while3A_74 to %while3A_70 step %while3A_76  : i32 {
        %broadcast_in_dim3A = arith.constant 320000 : i32
        %broadcast_in_dim3A_78 = vector.broadcast %broadcast_in_dim3A : i32 to vector<1x1xi32>
        %swap3A_79 = arith.index_cast %while3A_77 : i32 to index
        %swap3A_80 = arith.constant 0 : index
        %swap3A_81 = vector.load %arg8[%swap3A_79, %swap3A_80] : memref<1040x1xi32, #tpu.memory_space<vmem>>, vector<1x1xi32>
        tpu.vector_store %arg8[%swap3A_79, %swap3A_80], %broadcast_in_dim3A_78 {strides = array<i32>} : memref<1040x1xi32, #tpu.memory_space<vmem>>, vector<1x1xi32>,
      }
    } else {
    }
    return
  }
  func.func @transform_0(%arg0: i32) -> (i32, i32) {
    %c0_i32 = arith.constant 0 : i32
    %c0_i32_0 = arith.constant 0 : i32
    return %arg0, %c0_i32 : i32, i32
  }
  func.func @transform_1(%arg0: i32) -> (i32, i32, i32) {
    %c0_i32 = arith.constant 0 : i32
    %c0_i32_0 = arith.constant 0 : i32
    %c0_i32_1 = arith.constant 0 : i32
    return %arg0, %c0_i32, %c0_i32_0 : i32, i32, i32
  }
  func.func @transform_2(%arg0: i32) -> (i32, i32) {
    %c0_i32 = arith.constant 0 : i32
    %c0_i32_0 = arith.constant 0 : i32
    %c0_i32_1 = arith.constant 0 : i32
    return %c0_i32, %c0_i32_0 : i32, i32
  }
  func.func @transform_3(%arg0: i32) -> (i32, i32) {
    %c0_i32 = arith.constant 0 : i32
    %c0_i32_0 = arith.constant 0 : i32
    %c0_i32_1 = arith.constant 0 : i32
    return %c0_i32, %c0_i32_0 : i32, i32
  }
  func.func @transform_4(%arg0: i32) -> (i32, i32) {
    %c0_i32 = arith.constant 0 : i32
    %c0_i32_0 = arith.constant 0 : i32
    %c0_i32_1 = arith.constant 0 : i32
    return %c0_i32, %c0_i32_0 : i32, i32
  }
  func.func @transform_5(%arg0: i32) -> (i32, i32) {
    %c0_i32 = arith.constant 0 : i32
    %c0_i32_0 = arith.constant 0 : i32
    %c0_i32_1 = arith.constant 0 : i32
    return %c0_i32, %c0_i32_0 : i32, i32
  }
  func.func @transform_6(%arg0: i32) -> (i32, i32) {
    %c0_i32 = arith.constant 0 : i32
    %c0_i32_0 = arith.constant 0 : i32
    return %arg0, %c0_i32 : i32, i32
  }
  func.func @transform_7(%arg0: i32) -> (i32, i32) {
    %c0_i32 = arith.constant 0 : i32
    %c0_i32_0 = arith.constant 0 : i32
    %c0_i32_1 = arith.constant 0 : i32
    return %c0_i32, %c0_i32_0 : i32, i32
  }
}

</mosaic_0001>

<sc_bundles>
// kernel: kernel.4.cloned.1.call-start
scs
__scs_entry_jumppad:
0x0: {  	(pc) =	sbr.rel $0x88, $3  }
0x1: {  	(tag) =	ssettag $0x0;
	lr =	simm.s32 $0x1  }
0x2: {  	[smem:$0x3F9B] =	sst lr;
	_ =	strace $0xD0000000  }
0x3: {  	_ = 	snop  }
0x4: {  	_ = 	snop  }
0x5: {  	_ = 	snop  }
0x6: {  	_ = 	snop  }
0x7: {  	_ = 	snop  }
__scs_overlays_trampoline_lowered:
0x8: {  	[smem:$0x3FAA] =	sst s0  }
0x9: {  	[smem:$0x3FAB] =	sst s1  }
0xa: {  	[smem:$0x3FAC] =	sst s2  }
0xb: {  	[smem:$0x3FAD] =	sst s3  }
0xc: {  	[smem:$0x3FAE] =	sst s4  }
0xd: {  	[smem:$0x3FAF] =	sst s5  }
0xe: {  	[smem:$0x3FB0] =	sst s6  }
0xf: {  	[smem:$0x3FB1] =	sst s7  }
0x10: {  	[smem:$0x3FB2] =	sst s8  }
0x11: {  	[smem:$0x3FB3] =	sst s9;
	s0 =	simm.s32 @!p0 $0x0  }
0x12: {  	s1 =	sld [smem:$0x3F99];
	s0 =	simm.s32 @p0 $0x1  }
0x13: {  	[smem:$0x3FB4] =	sst s0;
	s0 =	simm.s32 @!p1 $0x0  }
0x14: {  	s2 =	sld [smem:$0x3F98];
	s0 =	simm.s32 @p1 $0x1  }
0x15: {  	[smem:$0x3FB5] =	sst s0;
	s0 =	simm.s32 @!p2 $0x0  }
0x16: {  	s3 =	sld [smem:$0x3FDB];
	s0 =	simm.s32 @p2 $0x1  }
0x17: {  	s4 =	simm.s32 $0x1BF5;
	[smem:$0x3FB7] =	sst s0  }
0x18: {  	s0 =	sld [smem:$0x3F9A];
	_ =	swait.ge [sflag:s4], $0x0  }
0x19: {  	s7 =	sld [smem:$0x3F9B]  }
0x1a: {  	s8 =	sadd.s32 $0xFFFFE003, lr  }
0x1b: {  	s9 =	sadd.s32 $0xFFFFFEF7, lr;
	s5 =	simm.s32 $0xFFFFFFFF;
	p2 =	slt.u32 s8, $0xFFFFF086  }
0x1c: {  	p1 =	slt.u32 s9, $0xF7A;
	s5 =	simm.s32 @!p2 $0x0  }
0x1d: {  	s5 =	simm.s32 @p1 $0x1;
	p0 =	seq.s32 s7, s2  }
0x1e: {  	s7 =	smul.u32 @!p0 $0xF7A, s2;
	p2 =	seq.s32 @!p0 s5, $0x0  }
0x1f: {  	s9 =	smul.u32 $0xF7A, s1;
	s8 =	simm.s32 @!p0 $0x1BF5;
	p2 =	por !p2, p0  }
0x20: {  	[sflag:s8] =	ssyncset.s32 @!p0 $0xFFFFF086;
	s6 =	sadd.s32 @!p0 s3, s7;
	s7 =	simm.s32 @!p0 $0x108  }
0x21: {  	s3 =	sadd.s32 s3, s9;
	s6 =	sadd.s32 @!p0 $0x88, s6;
	s7 =	simm.s32 @p2 $0x1082  }
0x22: {  	[simem:s7], [sflag:s8] =	dma.local @!p0 [hbm:s6], $0xF7A  }
0x23: {  	s9 =	sor.u32 $0xD0000000, s2;
	s6 =	simm.s32 $0x108;
	_ =	swait.ge @!p0 [sflag:s8], $0x0  }
0x24: {  	s3 =	sadd.s32 $0x88, s3;
	s6 =	simm.s32 @!p1 $0x1082;
	[sflag:s4] =	ssyncset.s32 $0xFFFFF086  }
0x25: {  	[simem:s6], [sflag:s4] =	dma.local [hbm:s3], $0xF7A  }
0x26: {  	[smem:$0x3F9B] =	sst s1;
	(tag) =	ssettag s2;
	_ =	strace s9  }
0x27: {  	s1 =	sld [smem:$0x3FAB]  }
0x28: {  	s2 =	sld [smem:$0x3FAC]  }
0x29: {  	s4 =	sld [smem:$0x3FAE]  }
0x2a: {  	p0 =	seq.s32 s5, $0x0;
	s5 =	sld [smem:$0x3FAF]  }
0x2b: {  	s6 =	sld [smem:$0x3FB0]  }
0x2c: {  	s7 =	sld [smem:$0x3FB1]  }
0x2d: {  	s3 =	simm.s32 $0x108;
	s8 =	sld [smem:$0x3FB2]  }
0x2e: {  	s3 =	simm.s32 @!p0 $0x1082;
	s9 =	sld [smem:$0x3FB3]  }
0x2f: {  	lr =	sadd.s32 s0, s3;
	s0 =	sld [smem:$0x3FAA]  }
0x30: {  	s3 =	sld [smem:$0x3FAD]  }
0x31: {  	[smem:$0x3FB6] =	sst s10  }
0x32: {  	s10 =	sld [smem:$0x3FB4];
	_ =	sdelay $0x3  }
0x33: {  	p0 =	seq.s32 s10, $0x1;
	s10 =	sld [smem:$0x3FB6];
	_ =	sdelay $0x3  }
0x34: {  	[smem:$0x3FB6] =	sst s10  }
0x35: {  	s10 =	sld [smem:$0x3FB5];
	_ =	sdelay $0x3  }
0x36: {  	p1 =	seq.s32 s10, $0x1;
	s10 =	sld [smem:$0x3FB6];
	_ =	sdelay $0x3  }
0x37: {  	[smem:$0x3FB6] =	sst s10  }
0x38: {  	s10 =	sld [smem:$0x3FB7]  }
0x39: {  	_ = 	snop;
	(pc) =	sbr.ind lr, $3  }
0x3a: {  	_ = 	snop  }
0x3b: {  	_ = 	snop  }
0x3c: {  	p2 =	seq.s32 s10, $0x1;
	s10 =	sld [smem:$0x3FB6]  }
0x3d: {  	_ =	shalt  }
0x3e: {  	_ =	shalt  }
0x3f: {  	_ =	shalt  }
0x40: {  	_ =	shalt  }
0x41: {  	_ =	shalt  }
0x42: {  	_ =	shalt  }
0x43: {  	_ =	shalt  }
0x44: {  	_ =	shalt  }
0x45: {  	_ =	shalt  }
0x46: {  	_ =	shalt  }
0x47: {  	_ =	shalt  }
0x48: {  	_ =	shalt  }
0x49: {  	_ =	shalt  }
0x4a: {  	_ =	shalt  }
0x4b: {  	_ =	shalt  }
0x4c: {  	_ =	shalt  }
0x4d: {  	_ =	shalt  }
0x4e: {  	_ =	shalt  }
0x4f: {  	_ =	shalt  }
0x50: {  	_ =	shalt  }
0x51: {  	_ =	shalt  }
0x52: {  	_ =	shalt  }
0x53: {  	_ =	shalt  }
0x54: {  	_ =	shalt  }
0x55: {  	_ =	shalt  }
0x56: {  	_ =	shalt  }
0x57: {  	_ =	shalt  }
0x58: {  	_ =	shalt  }
0x59: {  	_ =	shalt  }
0x5a: {  	_ =	shalt  }
0x5b: {  	_ =	shalt  }
0x5c: {  	_ =	shalt  }
0x5d: {  	_ =	shalt  }
0x5e: {  	_ =	shalt  }
0x5f: {  	_ =	shalt  }
0x60: {  	_ =	shalt  }
0x61: {  	_ =	shalt  }
0x62: {  	_ =	shalt  }
0x63: {  	_ =	shalt  }
0x64: {  	_ =	shalt  }
0x65: {  	_ =	shalt  }
0x66: {  	_ =	shalt  }
0x67: {  	_ =	shalt  }
0x68: {  	_ =	shalt  }
0x69: {  	_ =	shalt  }
0x6a: {  	_ =	shalt  }
0x6b: {  	_ =	shalt  }
0x6c: {  	_ =	shalt  }
0x6d: {  	_ =	shalt  }
0x6e: {  	_ =	shalt  }
0x6f: {  	_ =	shalt  }
0x70: {  	_ =	shalt  }
0x71: {  	_ =	shalt  }
0x72: {  	_ =	shalt  }
0x73: {  	_ =	shalt  }
0x74: {  	_ =	shalt  }
0x75: {  	_ =	shalt  }
0x76: {  	_ =	shalt  }
0x77: {  	_ =	shalt  }
0x78: {  	_ =	shalt  }
0x79: {  	_ =	shalt  }
0x7a: {  	_ =	shalt  }
0x7b: {  	_ =	shalt  }
0x7c: {  	_ =	shalt  }
0x7d: {  	_ =	shalt  }
0x7e: {  	_ =	shalt  }
0x7f: {  	_ =	shalt  }
0x80: {  	_ =	shalt  }
0x81: {  	_ =	shalt  }
0x82: {  	_ =	shalt  }
0x83: {  	_ =	shalt  }
0x84: {  	_ =	shalt  }
0x85: {  	_ =	shalt  }
0x86: {  	_ =	shalt  }
0x87: {  	_ =	shalt  }
.Lfunc_end0:
.L_simem_size_0:
called_computation_lowered:
.L_overlay_start_0:
0x88: {  	s2 =	sld [smem:$0x3FD9]  }
0x89: {  	s3 =	sld [smem:$0x3FFE];
	_ =	sdelay $0x1  }
0x8a: {  	s1 =	srdreg.scid  }
0x8b: {  	s0 =	sand.u32 $0x1, s1  }
0x8c: {  	s17 =	sshll.u32 s0, $0xA;
	s2 =	sadd.s32 s3, s2  }
0x8d: {  	s2 =	sadd.s32 s2, s17  }
0x8e: {  	[smem:$0x3FC2] =	sst s2  }
0x8f: {  	_ = 	snop  }
0x90: {  	s2 =	sld [smem:$0x3FD0];
	(tm) =	ssettm $0x1  }
0x91: {  	s18 =	sld [smem:$0x3FFB];
	_ =	sdelay $0x3  }
0x92: {  	_ =	strace s18  }
0x93: {  	s3 =	sld [smem:$0x3FFC];
	_ =	sdelay $0x3  }
0x94: {  	_ =	strace s3  }
0x95: {  	s3 =	sld [smem:$0x3FFD];
	_ =	sdelay $0x3  }
0x96: {  	_ =	strace s3  }
0x97: {  	_ =	strace $0x8FFFFFFF  }
0x98: {  	s19 =	sld [smem:$0x3FDB];
	_ =	sdelay $0x1  }
0x99: {  	s4 =	simm.s32 $_scs_section_size  }
0x9a: {  	s5 =	simm.s32 $_size__tile_overlayer_lowered;
	s6 =	simm.s32 $_tile_overlayer_lowered  }
0x9b: {  	s22 =	simm.s32 $0x1BFF;
	s21 =	sshll.u32 s6, $0x1;
	s3 =	sadd.s32 s4, s19  }
0x9c: {  	s7 =	simm.s32 $0x0;
	s20 =	sshll.u32 s5, $0x1;
	s5 =	sadd.s32 s21, s3  }
0x9d: {  	[timem:s7], [sflag:s22] =	dma.local [hbm:s5], s20  }
0x9e: {  	_ =	swait.ge [sflag:s22], s20  }
0x9f: {  	s4 =	ssub.s32 $0x0, s20;
	[sflag:s22] =	ssyncset.done $0x0  }
0xa0: {  	[sflag:s22] =	ssyncadd.s32 s4;
	_ =	sdelay $0x1  }
0xa1: {  	s23 =	simm.s32 $0x1B8B  }
0xa2: {  	_ =	swait.ge [sflag:s23], $0x1  }
0xa3: {  	[sflag:s23] =	ssyncset.done $0x0  }
0xa4: {  	s25 =	simm.s32 $0x1B8E;
	s24 =	sld [smem:$0x3FFE];
	[sflag:s23] =	ssyncadd.s32 $0xFFFFFFFF  }
0xa5: {  	s26 =	simm.s32 $execute0_lowered;
	[smem:$0x3FD2] =	sst s25  }
0xa6: {  	s5 =	sshll.u32 s26, $0x1;
	_ =	strace $0x80000046;
	[dreg:$0x1] =	wrdreg $0xFFFFFFFF  }
0xa7: {  	s28 =	simm.s32 $_size_execute0_lowered;
	s3 =	sadd.s32 s3, s5;
	[dreg:$0x0] =	wrdreg $0x0  }
0xa8: {  	s5 =	sshll.u32 s28, $0x1;
	[dreg:$0x2] =	wrdreg s3  }
0xa9: {  	[dreg:$0x3] =	wrdreg s5  }
0xaa: {  	[dreg:$0x4] =	wrdreg $0xC0  }
0xab: {  	_ =	task [dreg:s7], $0x5FFFF  }
0xac: {  	[dreg:$0x1] =	wrdreg $0xFFFFFFFF  }
0xad: {  	[dreg:$0x0] =	wrdreg $0x60  }
0xae: {  	[dreg:$0x2] =	wrdreg s24  }
0xaf: {  	[dreg:$0x3] =	wrdreg s2  }
0xb0: {  	[dreg:$0x4] =	wrdreg $0x9  }
0xb1: {  	_ =	task.clear_ibuf [dreg:s7], $0x5FFFF;
	_ =	strace $0x90000046  }
0xb2: {  	s29 =	simm.s32 $0x9;
	_ =	strace $0x80000048  }
0xb3: {  	_ =	swait.ge [sflag:s29], $0x1  }
0xb4: {  	[sflag:s29] =	ssyncadd.s32 $0xFFFFFFFF  }
0xb5: {  	_ =	strace $0x90000048  }
0xb6: {  	_ =	sfence  }
0xb7: {  	s30 =	sld [smem:$0x0];
	_ =	sdelay $0x2  }
0xb8: {  	s31 =	sshll.u32 s1, $0xD;
	s1 =	sshrl.u32 s1, $0x2  }
0xb9: {  	s3 =	sand.u32 $0x4000, s31;
	s1 =	sadd.s32 s1, s30  }
0xba: {  	s0 =	sor.u32 s3, s0;
	s1 =	sshll.u32 s1, $0x11  }
0xbb: {  	s0 =	sor.u32 s1, s0  }
0xbc: {  	s0 =	sadd.s32 $0x8F2B, s0  }
0xbd: {  	[sflag:s0] =	ssyncadd.remote.s32 $0x1  }
0xbe: {  	_ =	sfence.sel $0xFFFF  }
0xbf: {  	[dreg:$0x0] =	wrdreg $0xFFFFFFFF;
	(pc) =	sbr.abs _section_cstart, $3  }
0xc0: {  	[dreg:$0x1] =	wrdreg $0xFFFFFFFF  }
0xc1: {  	_ =	task.clear_ibuf [dreg:s7], $0x2FFFF;
	_ =	strace $0x9FFFFFFF  }
0xc2: {  	(tm) =	ssettm $0x7FFFFFFF  }
0xc3: {  	_ =	shalt  }
tec
execute0_lowered:
.L_overlay_start_1:
0x0: {  	(tag) =	ssettag $0x1  }
0x1: {  	s4 =	rddreg [dreg:$0x0]  }
0x2: {  	s5 =	rddreg [dreg:$0x1]  }
0x3: {  	s0 =	rddreg [dreg:$0x2];
	s2 =	simm.s32 $0x0;
	s3 =	srdreg.scid  }
0x4: {  	s1 =	stileid.u32;
	[smem:$0x7FF] =	sst s2  }
0x5: {  	s3 =	sand.u32 $0x1, s3;
	s7 =	sshll.u32 s1, $0x6;
	_ =	strace $0x80000047  }
.Ltmp0:
0x6: {  	s6 =	ssub.s32 $0x2, s3;
	s8 =	sshll.u32 s3, $0x5;
	(pc) =	sbr.rel .LBB2_1-.Ltmp0, $4  }
0x7: {  	s3 =	sadd.s32 $0xA00, s4;
	s4 =	sadd.s32 $0x278A00, s4;
	s9 =	sshrl.u32 s6, $0x1  }
0x8: {  	s10 =	sor.u32 s8, s7;
	s8 =	simm.s32 $0x480;
	s6 =	ssub.s32 s6, s9  }
0x9: {  	s7 =	sshll.u32 s10, $0x4;
	s9 =	simm.s32 $0x6480;
	v0 =	vmov s10;
	s10 =	simm.s32 $0x0  }
0xa: {  	s5 =	sadd.s32 s5, s7;
	s6 =	smax.u32 s6, $0x1;
	s7 =	simm.s32 $0x1  }
.LBB2_11:
0xb: {  	s10 =	sadd.s32 $0x1, s10  }
0xc: {  	p0 =	sne.s32 s10, s6  }
.Ltmp1:
0xd: {  	_ = 	snop;
	(pc) =	sbr.rel @!p0 .LBB2_12-.Ltmp1, $4  }
0xe: {  	[hbm4b:s5+s2] =	stream.linear.scatter [tilespmem:s9], [sflag:$0x1], $0x1000, $0x38;
	[tilespmem:$0x7480] =	vst v63  }
0xf: {  	_ =	swait.ge [sflag:s7], $0x1000  }
0x10: {  	[sflag:s7] =	ssyncset.done $0x0  }
0x11: {  	[sflag:s7] =	ssyncadd.s32 $0xFFFFF000  }
.LBB2_1:
.Ltmp2:
0x12: {  	(pc) =	sbr.rel .LBB2_2-.Ltmp2, $4  }
0x13: {  	[tilespmem:s2], [sflag:$0x1] =	stream.linear.gather [hbm4b:s4+s2], $0x480, $0x38;
	[tilespmem:$0x7480] =	vst v63  }
0x14: {  	_ =	swait.ge [sflag:s7], $0x480  }
0x15: {  	[sflag:s7] =	ssyncset.done $0x0  }
0x16: {  	s11 =	simm.s32 $0x0;
	[sflag:s7] =	ssyncadd.s32 $0xFFFFFB80  }
.LBB2_9:
0x17: {  	v16 =	vshrl.u32 v16, $0x10;
	v15 =	vshrl.u32 v15, $0x10;
	v14 =	vshrl.u32 v14, $0x10  }
0x18: {  	v13 =	vshrl.u32 v13, $0x10;
	v12 =	vshrl.u32 v12, $0x10;
	v10 =	vshrl.u32 v10, $0x10  }
0x19: {  	v8 =	vshrl.u32 v8, $0x10;
	v7 =	vshrl.u32 v7, $0x10;
	vm0 =	vgt.s32 v16, v11  }
0x1a: {  	vm1 =	vgt.s32 v15, v9;
	vm11 =	vgt.s32 v14, v6;
	vm12 =	vgt.s32 v13, v5  }
0x1b: {  	vm2 =	vgt.s32 v12, v4;
	vm13 =	vgt.s32 v10, v3;
	vm14 =	vgt.s32 v8, v2  }
0x1c: {  	vm15 =	vgt.s32 v7, v1;
	v11 =	vsel vm0, v16, v11;
	v9 =	vsel vm1, v15, v9  }
0x1d: {  	v6 =	vsel vm11, v14, v6;
	v5 =	vsel vm12, v13, v5;
	v4 =	vsel vm2, v12, v4  }
0x1e: {  	v3 =	vsel vm13, v10, v3;
	v2 =	vsel vm14, v8, v2;
	v1 =	vsel vm15, v7, v1  }
.LBB2_10:
0x1f: {  	s12 =	sshll.u32 s11, $0x7  }
0x20: {  	s12 =	sand.u32 $0x3FFFFF80, s12  }
0x21: {  	[tilespmem:s12+$0x6480] =	vst v11  }
0x22: {  	s11 =	sadd.s32 $0x1, s11;
	[tilespmem:s12+$0x6490] =	vst v9  }
0x23: {  	p0 =	sne.s32 s11, $0x20;
	[tilespmem:s12+$0x64A0] =	vst v6  }
.Ltmp3:
0x24: {  	[tilespmem:s12+$0x64B0] =	vst v5;
	(pc) =	sbr.rel @!p0 .LBB2_11-.Ltmp3, $4  }
0x25: {  	[tilespmem:s12+$0x64C0] =	vst v4  }
0x26: {  	[tilespmem:s12+$0x64D0] =	vst v3  }
0x27: {  	[tilespmem:s12+$0x64E0] =	vst v2  }
0x28: {  	[tilespmem:s12+$0x64F0] =	vst v1  }
.LBB2_2:
0x29: {  	_ =	sdelay $0x3  }
0x2a: {  	v1 =	vld.idx.msk [tilespmem:v0+s11+$0x0 ss:$0x1], $0xffff;
	_ =	sdelay $0x4  }
0x2b: {  	(v2sf) =	vpush v1, $0x0;
	_ =	sdelay $0x2  }
0x2c: {  	(v2sf) =	vpush v1, $0x1;
	_ =	sdelay $0xb  }
0x2d: {  	s17 =	spop (v2sf)  }
0x2e: {  	s13 =	sshra.s32 s17, $0x1F  }
0x2f: {  	s12 =	sshra.s32 s17, $0x1;
	s13 =	sshrl.u32 s13, $0x1D  }
0x30: {  	s16 =	spop (v2sf);
	s14 =	sadd.s32 s13, s12  }
0x31: {  	s13 =	sshra.s32 s16, $0x1;
	s14 =	sand.u32 $0xFFFFFFF8, s14  }
0x32: {  	s15 =	ssub.s32 s13, s14  }
0x33: {  	s15 =	sadd.s32 $0xC0, s15  }
0x34: {  	p0 =	slt.s32 s15, $0xC0  }
.Ltmp4:
0x35: {  	_ = 	snop;
	(pc) =	sbr.rel @p0 .LBB2_10-.Ltmp4, $4  }
0x36: {  	_ = 	snop  }
0x37: {  	v11 =	vimm.s32 $0x0;
	v9 =	vimm.s32 $0x0  }
0x38: {  	v6 =	vimm.s32 $0x0;
	v5 =	vimm.s32 $0x0;
	v4 =	vimm.s32 $0x0  }
0x39: {  	v3 =	vimm.s32 $0x0;
	v2 =	vimm.s32 $0x0;
	v1 =	vimm.s32 $0x0  }
0x3a: {  	s18 =	smulhi.u32 $0x2AAAAAAB, s15;
	s29 =	sshra.s32 s15, $0x1F  }
0x3b: {  	v1 =	vimm.s32 $0x0;
	s20 =	smul.u32 $0x2AAAAAAB, s29  }
.Ltmp5:
0x3c: {  	s19 =	sadd.s32 $0x1, s17;
	v2 =	vimm.s32 $0x0;
	v3 =	vimm.s32 $0x0;
	v4 =	vimm.s32 $0x0;
	s30 =	sand.u32 $0x80000001, s17;
	(pc) =	sbr.rel .LBB2_4-.Ltmp5, $4  }
0x3d: {  	s31 =	ssub.s32 s12, s14;
	v5 =	vimm.s32 $0x0;
	v6 =	vimm.s32 $0x0;
	v9 =	vimm.s32 $0x0;
	s21 =	sand.u32 $0x80000001, s16;
	s15 =	sshra.s32 s19, $0x1  }
0x3e: {  	v11 =	vimm.s32 $0x0;
	v7 =	vimm.s32 $0x0;
	v8 =	vimm.s32 $0x0;
	p0 =	seq.s32 s21, $0x1;
	p1 =	seq.s32 s30, $0x1;
	s18 =	sadd.s32 s20, s18  }
0x3f: {  	v10 =	vimm.s32 $0x0;
	v12 =	vimm.s32 $0x0;
	v13 =	vimm.s32 $0x0;
	s17 =	sadd.s32 s31, s15;
	s20 =	sshrl.u32 s18, $0x1F;
	s18 =	sshra.s32 s18, $0x5  }
0x40: {  	v14 =	vimm.s32 $0x0;
	v15 =	vimm.s32 $0x0;
	v16 =	vimm.s32 $0x0;
	s17 =	ssub.s32 s17, s12;
	s16 =	sadd.s32 s20, s18;
	s18 =	simm.s32 $0x0  }
.LBB2_7:
0x41: {  	v15 =	vsel vm1, v15, v20  }
0x42: {  	v9 =	vsel vm2, v9, v24;
	vm12 =	vgt.s32 v14, v17;
	v63 =	vand.u32 $0xFFFF, v22  }
0x43: {  	vm13 =	vgt.s32 v12, v18;
	v10 =	vsel vm0, v10, v19;
	vm14 =	vgt.s32 v6, v21  }
0x44: {  	vm3 =	vgt.s32 v13, v22;
	vm15 =	vgt.s32 v4, v23;
	vm4 =	vgt.s32 v5, v63  }
0x45: {  	v14 =	vsel vm12, v14, v17;
	v6 =	vsel vm14, v6, v21;
	v13 =	vsel vm3, v13, v22  }
0x46: {  	v12 =	vsel vm13, v12, v18;
	v4 =	vsel vm15, v4, v23;
	v5 =	vsel vm4, v5, v63  }
.LBB2_8:
0x47: {  	s21 =	ssub.s32 s12, s19  }
0x48: {  	p2 =	sgt.s32 s21, $0x0  }
0x49: {  	s21 =	simm.s32 @!p2 $0x0  }
0x4a: {  	s21 =	smin.u32 s21, $0xBF  }
0x4b: {  	s30 =	sshll.u32 s21, $0x7  }
0x4c: {  	p2 =	sgt.s32 s20, $0x0;
	v17 =	vld [tilespmem:s30+$0x480]  }
0x4d: {  	s20 =	simm.s32 @!p2 $0x0;
	v19 =	vld [tilespmem:s30+$0x490]  }
0x4e: {  	s23 =	smin.u32 s20, $0xBF;
	v21 =	vld [tilespmem:s30+$0x4A0]  }
0x4f: {  	s22 =	sadd.s32 $0xC0, s19;
	s31 =	sshll.u32 s23, $0x7;
	v62 =	vld [tilespmem:s30+$0x4F0]  }
0x50: {  	p5 =	sge.s32 s12, s19;
	p3 =	slt.s32 s12, s22;
	v18 =	vld [tilespmem:s31+$0x480]  }
0x51: {  	p2 =	por !p5, !p3;
	v20 =	vld [tilespmem:s31+$0x490]  }
0x52: {  	p2 =	por !p2, !p2;
	v23 =	vld [tilespmem:s31+$0x4B0]  }
0x53: {  	p2 =	por !p1, !p2;
	v58 =	vld [tilespmem:s31+$0x4C0]  }
0x54: {  	p2 =	por !p2, !p2  }
0x55: {  	v17 =	vpsel !p2, $0x0, v17;
	v57 =	vpsel !p2, $0x0, v21  }
0x56: {  	p6 =	sge.s32 s13, s19;
	p4 =	slt.s32 s13, s22;
	v22 =	vld [tilespmem:s31+$0x4A0];
	v63 =	vpsel !p2, $0x0, v62;
	vm0 =	vgt.s32 v16, v17;
	v20 =	vand.u32 $0xFFFF, v20  }
0x57: {  	p3 =	por !p6, !p4;
	v16 =	vsel vm0, v16, v17;
	v17 =	vand.u32 $0xFFFF, v18;
	v18 =	vpsel !p2, $0x0, v19;
	v19 =	vld [tilespmem:s30+$0x4B0]  }
0x58: {  	p3 =	por !p3, !p3;
	vm4 =	vgt.s32 v14, v57;
	v60 =	vand.u32 $0xFFFF, v23;
	v21 =	vand.u32 $0xFFFF, v58  }
0x59: {  	p3 =	por !p0, !p3;
	v59 =	vld [tilespmem:s30+$0x4D0];
	vm15 =	vgt.s32 v9, v20;
	vm14 =	vgt.s32 v11, v17;
	vm1 =	vgt.s32 v15, v18  }
0x5a: {  	p3 =	por !p3, !p3;
	v14 =	vsel vm4, v14, v57;
	v17 =	vsel vm14, v11, v17;
	v15 =	vsel vm1, v15, v18;
	v18 =	vld [tilespmem:s30+$0x4C0]  }
0x5b: {  	vm7 =	vgt.s32 v5, v60;
	v11 =	vpsel p3, v17, v11;
	v17 =	vsel vm15, v9, v20  }
0x5c: {  	v61 =	vld [tilespmem:s30+$0x4E0];
	v9 =	vpsel p3, v17, v9;
	v17 =	vand.u32 $0xFFFF, v22;
	v19 =	vpsel !p2, $0x0, v19  }
0x5d: {  	v24 =	vld [tilespmem:s31+$0x4E0];
	vm9 =	vgt.s32 v4, v21;
	vm5 =	vgt.s32 v6, v17;
	vm6 =	vgt.s32 v13, v19  }
0x5e: {  	v20 =	vpsel !p2, $0x0, v59;
	v17 =	vsel vm5, v6, v17;
	v13 =	vsel vm6, v13, v19;
	v19 =	vld [tilespmem:s31+$0x4D0]  }
0x5f: {  	vm15 =	vgt.s32 v7, v63;
	v18 =	vpsel !p2, $0x0, v18;
	v6 =	vpsel p3, v17, v6;
	v17 =	vld [tilespmem:s31+$0x4F0]  }
0x60: {  	v22 =	vsel vm7, v5, v60;
	vm10 =	vgt.s32 v10, v20;
	vm8 =	vgt.s32 v12, v18  }
0x61: {  	s18 =	sadd.s32 $0x1, s18;
	v7 =	vsel vm15, v7, v63;
	v12 =	vsel vm8, v12, v18;
	v18 =	vsel vm9, v4, v21  }
0x62: {  	v5 =	vpsel p3, v22, v5;
	v4 =	vpsel p3, v18, v4;
	v18 =	vpsel !p2, $0x0, v61;
	p2 =	sne.s32 s18, s16  }
.Ltmp6:
0x63: {  	v10 =	vsel vm10, v10, v20;
	vm11 =	vgt.s32 v8, v18;
	v19 =	vand.u32 $0xFFFF, v19;
	(pc) =	sbr.rel @!p2 .LBB2_9-.Ltmp6, $4  }
0x64: {  	v8 =	vsel vm11, v8, v18;
	v18 =	vand.u32 $0xFFFF, v24;
	v17 =	vand.u32 $0xFFFF, v17  }
0x65: {  	vm12 =	vgt.s32 v3, v19;
	vm13 =	vgt.s32 v2, v18;
	vm14 =	vgt.s32 v1, v17  }
0x66: {  	v19 =	vsel vm12, v3, v19;
	v18 =	vsel vm13, v2, v18;
	v17 =	vsel vm14, v1, v17  }
0x67: {  	s17 =	sadd.s32 $0xFFFFFF40, s17;
	v3 =	vpsel p3, v19, v3;
	v2 =	vpsel p3, v18, v2;
	v1 =	vpsel p3, v17, v1  }
.LBB2_4:
0x68: {  	s19 =	smul.u32 $0xC0, s18;
	_ =	sdelay $0x1  }
0x69: {  	s19 =	sadd.s32 s14, s19  }
0x6a: {  	s20 =	sshll.u32 s19, $0x4  }
0x6b: {  	s20 =	sadd.s32 s3, s20  }
0x6c: {  	[tilespmem:s8], [sflag:$0x1] =	stream.linear.gather [hbm4b:s20+s2], $0x6000, $0x38;
	[tilespmem:$0x7480] =	vst v63  }
0x6d: {  	s22 =	ssub.s32 s15, s19;
	s20 =	ssub.s32 s13, s19  }
0x6e: {  	p2 =	sgt.s32 s22, $0x0;
	p3 =	slt.s32 s20, $0xC0;
	s21 =	smov.u32 s20  }
0x6f: {  	s22 =	simm.s32 @!p2 $0x0;
	s21 =	simm.s32 @!p3 $0xC0  }
0x70: {  	p2 =	sge.s32 s22, s21  }
.Ltmp7:
0x71: {  	_ = 	snop;
	(pc) =	sbr.rel @p2 .LBB2_8-.Ltmp7, $4  }
0x72: {  	_ = 	snop  }
0x73: {  	_ =	swait.ge [sflag:s7], $0x6000  }
0x74: {  	[sflag:s7] =	ssyncset.done $0x0  }
0x75: {  	[sflag:s7] =	ssyncadd.s32 $0xFFFFA000  }
0x76: {  	p2 =	sgt.s32 s17, $0x0;
	s23 =	smov.u32 s17  }
0x77: {  	s23 =	simm.s32 @!p2 $0x0  }
0x78: {  	s23 =	sshll.u32 s23, $0x9  }
0x79: {  	s23 =	sshra.s32 s23, $0x2  }
0x7a: {  	s23 =	sadd.s32 $0x4C0, s23  }
0x7b: {  	v18 =	vld [tilespmem:s23+$0x20]  }
0x7c: {  	v21 =	vld [tilespmem:s23+$0x30]  }
0x7d: {  	v22 =	vld [tilespmem:s23+$0xFFFFFFC0]  }
0x7e: {  	v20 =	vld [tilespmem:s23+$0xFFFFFFD0];
	_ =	sdelay $0x2  }
0x7f: {  	v17 =	vld [tilespmem:s23+$0xFFFFFFE0]  }
0x80: {  	v19 =	vld [tilespmem:s23+$0x10];
	vm0 =	vgt.s32 v8, v18;
	v23 =	vand.u32 $0xFFFF, v22;
	v25 =	vand.u32 $0xFFFF, v18  }
0x81: {  	s22 =	sadd.s32 $0x1, s22;
	v26 =	vand.u32 $0xFFFF, v21;
	v24 =	vand.u32 $0xFFFF, v20;
	v8 =	vsel vm0, v8, v18  }
0x82: {  	p2 =	slt.s32 s22, s21;
	vm0 =	vgt.s32 v7, v21;
	v18 =	vld [tilespmem:s23+$0x0];
	vm1 =	vgt.s32 v2, v25;
	vm2 =	vgt.s32 v11, v23  }
.Ltmp8:
0x83: {  	v7 =	vsel vm0, v7, v21;
	v2 =	vsel vm1, v2, v25;
	vm1 =	vgt.s32 v16, v22;
	(pc) =	sbr.rel @!p2 .LBB2_7-.Ltmp8, $4  }
0x84: {  	vm0 =	vgt.s32 v1, v26;
	v21 =	vand.u32 $0xFFFF, v17;
	v16 =	vsel vm1, v16, v22;
	v22 =	vld [tilespmem:s23+$0xFFFFFFF0]  }
0x85: {  	v25 =	vand.u32 $0xFFFF, v19;
	v11 =	vsel vm2, v11, v23;
	vm2 =	vgt.s32 v9, v24  }
0x86: {  	v1 =	vsel vm0, v1, v26;
	vm0 =	vgt.s32 v10, v19;
	vm3 =	vgt.s32 v3, v25  }
0x87: {  	vm1 =	vgt.s32 v15, v20;
	s23 =	sadd.s32 $0x80, s23;
	v3 =	vsel vm3, v3, v25;
	v23 =	vand.u32 $0xFFFF, v18  }
.LBB2_6:
0x88: {  	v25 =	vld [tilespmem:s23+$0x20];
	s22 =	sadd.s32 $0x1, s22;
	v15 =	vsel vm1, v15, v20;
	v9 =	vsel vm2, v9, v24;
	vm1 =	vgt.s32 v14, v17  }
0x89: {  	v26 =	vand.u32 $0xFFFF, v22;
	vm2 =	vgt.s32 v12, v18;
	v10 =	vsel vm0, v10, v19;
	v24 =	vld [tilespmem:s23+$0x30];
	p2 =	slt.s32 s22, s21  }
0x8a: {  	vm0 =	vgt.s32 v6, v21;
	vm3 =	vgt.s32 v13, v22;
	vm4 =	vgt.s32 v5, v26;
	v27 =	vld [tilespmem:s23+$0xFFFFFFC0]  }
0x8b: {  	v14 =	vsel vm1, v14, v17;
	v6 =	vsel vm0, v6, v21;
	v5 =	vsel vm4, v5, v26;
	v20 =	vld [tilespmem:s23+$0xFFFFFFD0]  }
0x8c: {  	v13 =	vsel vm3, v13, v22;
	v12 =	vsel vm2, v12, v18;
	vm0 =	vgt.s32 v4, v23;
	v17 =	vld [tilespmem:s23+$0xFFFFFFE0]  }
0x8d: {  	v4 =	vsel vm0, v4, v23;
	v19 =	vld [tilespmem:s23+$0x10];
	vm1 =	vgt.s32 v8, v25  }
0x8e: {  	v18 =	vld [tilespmem:s23+$0x0];
	v8 =	vsel vm1, v8, v25;
	vm0 =	vgt.s32 v7, v24  }
0x8f: {  	v21 =	vand.u32 $0xFFFF, v25;
	v22 =	vand.u32 $0xFFFF, v24;
	v23 =	vand.u32 $0xFFFF, v27  }
0x90: {  	vm1 =	vgt.s32 v2, v21;
	v7 =	vsel vm0, v7, v24;
	vm0 =	vgt.s32 v1, v22  }
.Ltmp9:
0x91: {  	v2 =	vsel vm1, v2, v21;
	v24 =	vand.u32 $0xFFFF, v20;
	v1 =	vsel vm0, v1, v22;
	(pc) =	sbr.rel @p2 .LBB2_6-.Ltmp9, $4  }
0x92: {  	v21 =	vand.u32 $0xFFFF, v17;
	v22 =	vld [tilespmem:s23+$0xFFFFFFF0];
	vm0 =	vgt.s32 v10, v19;
	v25 =	vand.u32 $0xFFFF, v19  }
0x93: {  	vm1 =	vgt.s32 v16, v27;
	vm2 =	vgt.s32 v11, v23;
	vm3 =	vgt.s32 v3, v25  }
0x94: {  	v16 =	vsel vm1, v16, v27;
	v11 =	vsel vm2, v11, v23;
	v3 =	vsel vm3, v3, v25  }
0x95: {  	vm1 =	vgt.s32 v15, v20;
	vm2 =	vgt.s32 v9, v24;
	s23 =	sadd.s32 $0x80, s23;
	v23 =	vand.u32 $0xFFFF, v18  }
.Ltmp10:
0x96: {  	_ = 	snop;
	(pc) =	sbr.rel .LBB2_7-.Ltmp10, $1  }
0x97: {  	_ =	sdelay $0x3  }
.LBB2_12:
0x98: {  	_ =	sfence.sel $0x180000  }
0x99: {  	[bflag:$0x0] =	sbarrier.arrive $0xFFFF  }
0x9a: {  	p0 =	sne.s32 s1, $0x0;
	_ =	strace $0x90000047  }
0x9b: {  	s0 =	sadd.s32 @!p0 $0x100000, s0;
	[bflag:$0x2] =	sbarrier.arrive $0xFFFF  }
0x9c: {  	[sflag:s0] =	ssyncadd.tile.s32 @!p0 $0x1;
	_ =	shalt  }
.Lfunc_end2:
_tile_overlayer_lowered:
.L_overlay_start_2:
0x9d: {  	(tag) =	ssettag $0x2  }
0x9e: {  	s0 =	rddreg [dreg:$0x0];
	s2 =	stileid.u32  }
0x9f: {  	s1 =	rddreg [dreg:$0x1];
	p0 =	sne.s32 s2, $0x0  }
0xa0: {  	s3 =	rddreg [dreg:$0x2];
	[bflag:$0x3] =	sbarrier.arrive $0xFFFF;
	s2 =	simm.s32 @!p0 $0x1C01  }
0xa1: {  	[timem:s3], [sflag:s2] =	dma.local @!p0 [hbm:s0], s1  }
0xa2: {  	s0 =	simm.s32 @!p0 $0x1  }
0xa3: {  	_ =	swait.ge @!p0 [sflag:s0], s1  }
0xa4: {  	s1 =	ssub.s32 @!p0 $0x0, s1;
	[sflag:s0] =	ssyncset.done @!p0 $0x0  }
0xa5: {  	[sflag:s0] =	ssyncadd.s32 @!p0 s1  }
0xa6: {  	[bflag:$0x3] =	sbarrier.arrive $0xFFFF  }
0xa7: {  	_ =	shalt  }

</sc_bundles>
